<compile_context>
chip_gen: v7x
topology: tpu7x:2x2x1
jax: 0.10.2.dev20260603
libtpu: 0.0.44.dev20260713+nightly
codegen_flags: <defaults>
</compile_context>

<pallas_src>
import functools

import jax
import jax.numpy as jnp
from jax import lax
from jax.experimental import pallas as pl
from jax.experimental.pallas import tpu as pltpu
from jax.experimental.pallas import tpu_sc as plsc

LANES = 16
CHUNK = 128


def _sc_grid():
    try:
        info = plsc.get_sparse_core_info()
        return info.num_cores, info.num_subcores
    except Exception:
        return 2, 16


def _irt_body(nc, b_per_w,
              sid_hbm, qid_hbm, theta_hbm, alpha_hbm, beta_hbm, out_hbm,
              idx_s, idx_q, t_v, a_v, b_v, o_v, sem, semi, semo):
    wid = lax.axis_index("s") * nc + lax.axis_index("c")
    base = wid * b_per_w

    ci = pltpu.async_copy(sid_hbm.at[pl.ds(base, b_per_w)], idx_s, semi)
    cq = pltpu.async_copy(qid_hbm.at[pl.ds(base, b_per_w)], idx_q, semi)

    theta_f = theta_hbm.at[0, :]
    alpha_f = alpha_hbm.at[0, :]
    beta_f = beta_hbm.at[0, :]
    ci.wait()
    cq.wait()

    copies = []
    for j in range(b_per_w // CHUNK):
        sl = pl.ds(j * CHUNK, CHUNK)
        copies.append(pltpu.async_copy(theta_f.at[idx_s.at[sl]], t_v.at[sl], sem))
        copies.append(pltpu.async_copy(alpha_f.at[idx_q.at[sl]], a_v.at[sl], sem))
        copies.append(pltpu.async_copy(beta_f.at[idx_q.at[sl]], b_v.at[sl], sem))
    outs = []
    for j in range(b_per_w // CHUNK):
        for k in range(3):
            copies[j * 3 + k].wait()
        for i in range(CHUNK // LANES):
            sl = pl.ds(j * CHUNK + i * LANES, LANES)
            x = a_v[sl] * (t_v[sl] - b_v[sl])
            o_v[sl] = 1.0 / (1.0 + jnp.exp(-x))
        sl = pl.ds(j * CHUNK, CHUNK)
        outs.append(pltpu.async_copy(
            o_v.at[sl], out_hbm.at[pl.ds(base + j * CHUNK, CHUNK)], semo))
    for c in outs:
        c.wait()


@jax.jit
def kernel(student_ids, question_ids, theta, alpha, beta):
    nc, ns = _sc_grid()
    nw = nc * ns
    batch = student_ids.shape[0]
    b_per_w = batch // nw

    sid = student_ids.astype(jnp.int32)
    qid = question_ids.astype(jnp.int32)
    theta1 = theta.reshape(1, -1)
    alpha1 = alpha.reshape(1, -1)
    beta1 = beta.reshape(1, -1)

    mesh = plsc.VectorSubcoreMesh(core_axis_name="c", subcore_axis_name="s",
                                  num_cores=nc, num_subcores=ns)
    f = pl.kernel(
        functools.partial(_irt_body, nc, b_per_w),
        out_type=jax.ShapeDtypeStruct((batch,), jnp.float32),
        mesh=mesh,
        scratch_types=[
            pltpu.VMEM((b_per_w,), jnp.int32),
            pltpu.VMEM((b_per_w,), jnp.int32),
            pltpu.VMEM((b_per_w,), jnp.float32),
            pltpu.VMEM((b_per_w,), jnp.float32),
            pltpu.VMEM((b_per_w,), jnp.float32),
            pltpu.VMEM((b_per_w,), jnp.float32),
            pltpu.SemaphoreType.DMA,
            pltpu.SemaphoreType.DMA,
            pltpu.SemaphoreType.DMA,
        ],
    )
    out = f(sid, qid, theta1, alpha1, beta1)
    return out.reshape(batch, 1)

# --- scband reference (transcript-rebuilt; emitter-appended) ---
"""Pipeline reference for scband-irtnet-90357521973406 (READ-ONLY COPY).

The authoritative reference and input builder live on the scoring server;
editing this copy changes nothing except your own understanding.
"""

import jax, jax.numpy as jnp
import numpy as np

STUDENT_NUM = 1000000
QUESTION_NUM = 100000
BATCH = 16384


def setup_inputs(seed: int = 0) -> dict:
    key = jax.random.key(seed)
    k1, k2, k3, k4, k5 = jax.random.split(key, 5)
    student_ids = jax.random.randint(k1, (BATCH,), 0, STUDENT_NUM)
    question_ids = jax.random.randint(k2, (BATCH,), 0, QUESTION_NUM)
    # xavier_normal for embedding weight of shape [num, 1]: std = sqrt(2/(fan_in+fan_out)) = sqrt(2/(num+1))
    theta = jax.random.normal(k3, (STUDENT_NUM, 1), dtype=jnp.float32) * np.sqrt(2.0 / (STUDENT_NUM + 1))
    alpha = jax.random.normal(k4, (QUESTION_NUM, 1), dtype=jnp.float32) * np.sqrt(2.0 / (QUESTION_NUM + 1))
    beta = jax.random.normal(k5, (QUESTION_NUM, 1), dtype=jnp.float32) * np.sqrt(2.0 / (QUESTION_NUM + 1))
    return {
        "student_ids": student_ids,
        "question_ids": question_ids,
        "theta": theta,
        "alpha": alpha,
        "beta": beta,
    }


def reference(student_ids, question_ids, theta, alpha, beta):
    t = jnp.take(theta, student_ids, axis=0)   # [B, 1]
    a = jnp.take(alpha, question_ids, axis=0)  # [B, 1]
    b = jnp.take(beta, question_ids, axis=0)   # [B, 1]
    logits = a * (t - b)
    return jax.nn.sigmoid(logits)

if __name__ == "__main__":
    import jax
    _d = setup_inputs()
    print(jax.jit(kernel)(*tuple(_d.values())))

</pallas_src>

<mosaic_0001>
#map = affine_map<(d0, d1) -> (0)>
#map1 = affine_map<(d0, d1) -> (0, 0)>
module attributes {stable_mosaic.version = 14 : i64} {
  func.func @_irt_body(%arg0: i32, %arg1: i32, %arg2: memref<16384xi32, #tpu.memory_space<hbm>>, %arg3: memref<16384xi32, #tpu.memory_space<hbm>>, %arg4: memref<1x1000000xf32, #tpu.memory_space<hbm>>, %arg5: memref<1x100000xf32, #tpu.memory_space<hbm>>, %arg6: memref<1x100000xf32, #tpu.memory_space<hbm>>, %arg7: memref<16384xf32, #tpu.memory_space<hbm>>, %arg8: memref<512xi32, #tpu.memory_space<vmem>>, %arg9: memref<512xi32, #tpu.memory_space<vmem>>, %arg10: memref<512xf32, #tpu.memory_space<vmem>>, %arg11: memref<512xf32, #tpu.memory_space<vmem>>, %arg12: memref<512xf32, #tpu.memory_space<vmem>>, %arg13: memref<512xf32, #tpu.memory_space<vmem>>, %arg14: memref<!tpu.dma_semaphore, #tpu.memory_space<semaphore_mem>>, %arg15: memref<!tpu.dma_semaphore, #tpu.memory_space<semaphore_mem>>, %arg16: memref<!tpu.dma_semaphore, #tpu.memory_space<semaphore_mem>>) attributes {dimension_semantics = [#tpu.dimension_semantics<core_parallel>, #tpu.dimension_semantics<subcore_parallel>], iteration_bounds = array<i64: 2, 16>, scalar_prefetch = 0 : i64, scratch_operands = 9 : i64, tpu.core_type = #tpu.core_type<sc_vector_subcore>, window_params = [{transform_indices = #map}, {transform_indices = #map}, {transform_indices = #map1}, {transform_indices = #map1}, {transform_indices = #map1}, {transform_indices = #map}]} {
    %mul3A = arith.constant 2 : i32
    %mul3A_0 = arith.muli %arg1, %mul3A : i32
    %add3A = arith.addi %mul3A_0, %arg0 : i32
    %mul3A_1 = arith.constant 512 : i32
    %mul3A_2 = arith.muli %add3A, %mul3A_1 : i32
    %dma_start3A = tpu.memref_slice %arg2[%mul3A_2] : memref<16384xi32, #tpu.memory_space<hbm>> -> memref<512xi32, #tpu.memory_space<hbm>>
    %dma_start3A_3 = tpu.memref_slice %arg2[%mul3A_2] : memref<16384xi32, #tpu.memory_space<hbm>> -> memref<512xi32, #tpu.memory_space<hbm>>
    tpu.enqueue_dma source(%dma_start3A_3 : memref<512xi32, #tpu.memory_space<hbm>>) target(%arg8 : memref<512xi32, #tpu.memory_space<vmem>>) target_semaphore(%arg15 : memref<!tpu.dma_semaphore, #tpu.memory_space<semaphore_mem>>)
    %dma_start3A_4 = tpu.memref_slice %arg3[%mul3A_2] : memref<16384xi32, #tpu.memory_space<hbm>> -> memref<512xi32, #tpu.memory_space<hbm>>
    %dma_start3A_5 = tpu.memref_slice %arg3[%mul3A_2] : memref<16384xi32, #tpu.memory_space<hbm>> -> memref<512xi32, #tpu.memory_space<hbm>>
    tpu.enqueue_dma source(%dma_start3A_5 : memref<512xi32, #tpu.memory_space<hbm>>) target(%arg9 : memref<512xi32, #tpu.memory_space<vmem>>) target_semaphore(%arg15 : memref<!tpu.dma_semaphore, #tpu.memory_space<semaphore_mem>>)
    %dma_wait3A = tpu.memref_slice %arg2[%mul3A_2] : memref<16384xi32, #tpu.memory_space<hbm>> -> memref<512xi32, #tpu.memory_space<hbm>>
    %dma_wait3A_6 = tpu.memref_slice %arg2[%mul3A_2] : memref<16384xi32, #tpu.memory_space<hbm>> -> memref<512xi32, #tpu.memory_space<hbm>>
    tpu.wait_dma2 semaphore(%arg15 : memref<!tpu.dma_semaphore, #tpu.memory_space<semaphore_mem>>) src(%dma_wait3A_6 : memref<512xi32, #tpu.memory_space<hbm>>) dst(%arg8 : memref<512xi32, #tpu.memory_space<vmem>>)
    %dma_wait3A_7 = tpu.memref_slice %arg3[%mul3A_2] : memref<16384xi32, #tpu.memory_space<hbm>> -> memref<512xi32, #tpu.memory_space<hbm>>
    %dma_wait3A_8 = tpu.memref_slice %arg3[%mul3A_2] : memref<16384xi32, #tpu.memory_space<hbm>> -> memref<512xi32, #tpu.memory_space<hbm>>
    tpu.wait_dma2 semaphore(%arg15 : memref<!tpu.dma_semaphore, #tpu.memory_space<semaphore_mem>>) src(%dma_wait3A_8 : memref<512xi32, #tpu.memory_space<hbm>>) dst(%arg9 : memref<512xi32, #tpu.memory_space<vmem>>)
    %dma_start3A_9 = arith.constant 0 : i32
    %dma_start3A_10 = arith.constant 0 : i32
    %dma_start3A_11 = tpu.memref_slice %arg10[%dma_start3A_10] : memref<512xf32, #tpu.memory_space<vmem>> -> memref<128xf32, #tpu.memory_space<vmem>>
    %dma_start3A_12 = arith.constant 0 : i32
    %dma_start3A_13 = tpu.memref_slice %arg8[%dma_start3A_12] : memref<512xi32, #tpu.memory_space<vmem>> -> memref<128xi32, #tpu.memory_space<vmem>>
    %dma_start3A_14 = arith.constant 0 : i32
    %dma_start3A_15 = tpu.memref_slice %arg4[%dma_start3A_9, %dma_start3A_14] : memref<1x1000000xf32, #tpu.memory_space<hbm>> -> memref<1x1000000xf32, #tpu.memory_space<hbm>>
    %dma_start3A_16 = tpu.memref_squeeze %dma_start3A_15 : memref<1x1000000xf32, #tpu.memory_space<hbm>> -> memref<1000000xf32, #tpu.memory_space<hbm>>
    %dma_start3A_17 = arith.constant 0 : i32
    %dma_start3A_18 = tpu.memref_slice %dma_start3A_16[%dma_start3A_17] : memref<1000000xf32, #tpu.memory_space<hbm>> -> memref<1000000xf32, #tpu.memory_space<hbm>>
    tpu.enqueue_indirect_dma source(%dma_start3A_18 : memref<1000000xf32, #tpu.memory_space<hbm>>) target(%dma_start3A_11 : memref<128xf32, #tpu.memory_space<vmem>>) offsets(%dma_start3A_13 : memref<128xi32, #tpu.memory_space<vmem>>) semaphore(%arg14 : memref<!tpu.dma_semaphore, #tpu.memory_space<semaphore_mem>>)
    %dma_start3A_19 = arith.constant 0 : i32
    %dma_start3A_20 = arith.constant 0 : i32
    %dma_start3A_21 = tpu.memref_slice %arg11[%dma_start3A_20] : memref<512xf32, #tpu.memory_space<vmem>> -> memref<128xf32, #tpu.memory_space<vmem>>
    %dma_start3A_22 = arith.constant 0 : i32
    %dma_start3A_23 = tpu.memref_slice %arg9[%dma_start3A_22] : memref<512xi32, #tpu.memory_space<vmem>> -> memref<128xi32, #tpu.memory_space<vmem>>
    %dma_start3A_24 = arith.constant 0 : i32
    %dma_start3A_25 = tpu.memref_slice %arg5[%dma_start3A_19, %dma_start3A_24] : memref<1x100000xf32, #tpu.memory_space<hbm>> -> memref<1x100000xf32, #tpu.memory_space<hbm>>
    %dma_start3A_26 = tpu.memref_squeeze %dma_start3A_25 : memref<1x100000xf32, #tpu.memory_space<hbm>> -> memref<100000xf32, #tpu.memory_space<hbm>>
    %dma_start3A_27 = arith.constant 0 : i32
    %dma_start3A_28 = tpu.memref_slice %dma_start3A_26[%dma_start3A_27] : memref<100000xf32, #tpu.memory_space<hbm>> -> memref<100000xf32, #tpu.memory_space<hbm>>
    tpu.enqueue_indirect_dma source(%dma_start3A_28 : memref<100000xf32, #tpu.memory_space<hbm>>) target(%dma_start3A_21 : memref<128xf32, #tpu.memory_space<vmem>>) offsets(%dma_start3A_23 : memref<128xi32, #tpu.memory_space<vmem>>) semaphore(%arg14 : memref<!tpu.dma_semaphore, #tpu.memory_space<semaphore_mem>>)
    %dma_start3A_29 = arith.constant 0 : i32
    %dma_start3A_30 = arith.constant 0 : i32
    %dma_start3A_31 = tpu.memref_slice %arg12[%dma_start3A_30] : memref<512xf32, #tpu.memory_space<vmem>> -> memref<128xf32, #tpu.memory_space<vmem>>
    %dma_start3A_32 = arith.constant 0 : i32
    %dma_start3A_33 = tpu.memref_slice %arg9[%dma_start3A_32] : memref<512xi32, #tpu.memory_space<vmem>> -> memref<128xi32, #tpu.memory_space<vmem>>
    %dma_start3A_34 = arith.constant 0 : i32
    %dma_start3A_35 = tpu.memref_slice %arg6[%dma_start3A_29, %dma_start3A_34] : memref<1x100000xf32, #tpu.memory_space<hbm>> -> memref<1x100000xf32, #tpu.memory_space<hbm>>
    %dma_start3A_36 = tpu.memref_squeeze %dma_start3A_35 : memref<1x100000xf32, #tpu.memory_space<hbm>> -> memref<100000xf32, #tpu.memory_space<hbm>>
    %dma_start3A_37 = arith.constant 0 : i32
    %dma_start3A_38 = tpu.memref_slice %dma_start3A_36[%dma_start3A_37] : memref<100000xf32, #tpu.memory_space<hbm>> -> memref<100000xf32, #tpu.memory_space<hbm>>
    tpu.enqueue_indirect_dma source(%dma_start3A_38 : memref<100000xf32, #tpu.memory_space<hbm>>) target(%dma_start3A_31 : memref<128xf32, #tpu.memory_space<vmem>>) offsets(%dma_start3A_33 : memref<128xi32, #tpu.memory_space<vmem>>) semaphore(%arg14 : memref<!tpu.dma_semaphore, #tpu.memory_space<semaphore_mem>>)
    %dma_start3A_39 = arith.constant 0 : i32
    %dma_start3A_40 = arith.constant 128 : i32
    %dma_start3A_41 = tpu.memref_slice %arg10[%dma_start3A_40] : memref<512xf32, #tpu.memory_space<vmem>> -> memref<128xf32, #tpu.memory_space<vmem>>
    %dma_start3A_42 = arith.constant 128 : i32
    %dma_start3A_43 = tpu.memref_slice %arg8[%dma_start3A_42] : memref<512xi32, #tpu.memory_space<vmem>> -> memref<128xi32, #tpu.memory_space<vmem>>
    %dma_start3A_44 = arith.constant 0 : i32
    %dma_start3A_45 = tpu.memref_slice %arg4[%dma_start3A_39, %dma_start3A_44] : memref<1x1000000xf32, #tpu.memory_space<hbm>> -> memref<1x1000000xf32, #tpu.memory_space<hbm>>
    %dma_start3A_46 = tpu.memref_squeeze %dma_start3A_45 : memref<1x1000000xf32, #tpu.memory_space<hbm>> -> memref<1000000xf32, #tpu.memory_space<hbm>>
    %dma_start3A_47 = arith.constant 0 : i32
    %dma_start3A_48 = tpu.memref_slice %dma_start3A_46[%dma_start3A_47] : memref<1000000xf32, #tpu.memory_space<hbm>> -> memref<1000000xf32, #tpu.memory_space<hbm>>
    tpu.enqueue_indirect_dma source(%dma_start3A_48 : memref<1000000xf32, #tpu.memory_space<hbm>>) target(%dma_start3A_41 : memref<128xf32, #tpu.memory_space<vmem>>) offsets(%dma_start3A_43 : memref<128xi32, #tpu.memory_space<vmem>>) semaphore(%arg14 : memref<!tpu.dma_semaphore, #tpu.memory_space<semaphore_mem>>)
    %dma_start3A_49 = arith.constant 0 : i32
    %dma_start3A_50 = arith.constant 128 : i32
    %dma_start3A_51 = tpu.memref_slice %arg11[%dma_start3A_50] : memref<512xf32, #tpu.memory_space<vmem>> -> memref<128xf32, #tpu.memory_space<vmem>>
    %dma_start3A_52 = arith.constant 128 : i32
    %dma_start3A_53 = tpu.memref_slice %arg9[%dma_start3A_52] : memref<512xi32, #tpu.memory_space<vmem>> -> memref<128xi32, #tpu.memory_space<vmem>>
    %dma_start3A_54 = arith.constant 0 : i32
    %dma_start3A_55 = tpu.memref_slice %arg5[%dma_start3A_49, %dma_start3A_54] : memref<1x100000xf32, #tpu.memory_space<hbm>> -> memref<1x100000xf32, #tpu.memory_space<hbm>>
    %dma_start3A_56 = tpu.memref_squeeze %dma_start3A_55 : memref<1x100000xf32, #tpu.memory_space<hbm>> -> memref<100000xf32, #tpu.memory_space<hbm>>
    %dma_start3A_57 = arith.constant 0 : i32
    %dma_start3A_58 = tpu.memref_slice %dma_start3A_56[%dma_start3A_57] : memref<100000xf32, #tpu.memory_space<hbm>> -> memref<100000xf32, #tpu.memory_space<hbm>>
    tpu.enqueue_indirect_dma source(%dma_start3A_58 : memref<100000xf32, #tpu.memory_space<hbm>>) target(%dma_start3A_51 : memref<128xf32, #tpu.memory_space<vmem>>) offsets(%dma_start3A_53 : memref<128xi32, #tpu.memory_space<vmem>>) semaphore(%arg14 : memref<!tpu.dma_semaphore, #tpu.memory_space<semaphore_mem>>)
    %dma_start3A_59 = arith.constant 0 : i32
    %dma_start3A_60 = arith.constant 128 : i32
    %dma_start3A_61 = tpu.memref_slice %arg12[%dma_start3A_60] : memref<512xf32, #tpu.memory_space<vmem>> -> memref<128xf32, #tpu.memory_space<vmem>>
    %dma_start3A_62 = arith.constant 128 : i32
    %dma_start3A_63 = tpu.memref_slice %arg9[%dma_start3A_62] : memref<512xi32, #tpu.memory_space<vmem>> -> memref<128xi32, #tpu.memory_space<vmem>>
    %dma_start3A_64 = arith.constant 0 : i32
    %dma_start3A_65 = tpu.memref_slice %arg6[%dma_start3A_59, %dma_start3A_64] : memref<1x100000xf32, #tpu.memory_space<hbm>> -> memref<1x100000xf32, #tpu.memory_space<hbm>>
    %dma_start3A_66 = tpu.memref_squeeze %dma_start3A_65 : memref<1x100000xf32, #tpu.memory_space<hbm>> -> memref<100000xf32, #tpu.memory_space<hbm>>
    %dma_start3A_67 = arith.constant 0 : i32
    %dma_start3A_68 = tpu.memref_slice %dma_start3A_66[%dma_start3A_67] : memref<100000xf32, #tpu.memory_space<hbm>> -> memref<100000xf32, #tpu.memory_space<hbm>>
    tpu.enqueue_indirect_dma source(%dma_start3A_68 : memref<100000xf32, #tpu.memory_space<hbm>>) target(%dma_start3A_61 : memref<128xf32, #tpu.memory_space<vmem>>) offsets(%dma_start3A_63 : memref<128xi32, #tpu.memory_space<vmem>>) semaphore(%arg14 : memref<!tpu.dma_semaphore, #tpu.memory_space<semaphore_mem>>)
    %dma_start3A_69 = arith.constant 0 : i32
    %dma_start3A_70 = arith.constant 256 : i32
    %dma_start3A_71 = tpu.memref_slice %arg10[%dma_start3A_70] : memref<512xf32, #tpu.memory_space<vmem>> -> memref<128xf32, #tpu.memory_space<vmem>>
    %dma_start3A_72 = arith.constant 256 : i32
    %dma_start3A_73 = tpu.memref_slice %arg8[%dma_start3A_72] : memref<512xi32, #tpu.memory_space<vmem>> -> memref<128xi32, #tpu.memory_space<vmem>>
    %dma_start3A_74 = arith.constant 0 : i32
    %dma_start3A_75 = tpu.memref_slice %arg4[%dma_start3A_69, %dma_start3A_74] : memref<1x1000000xf32, #tpu.memory_space<hbm>> -> memref<1x1000000xf32, #tpu.memory_space<hbm>>
    %dma_start3A_76 = tpu.memref_squeeze %dma_start3A_75 : memref<1x1000000xf32, #tpu.memory_space<hbm>> -> memref<1000000xf32, #tpu.memory_space<hbm>>
    %dma_start3A_77 = arith.constant 0 : i32
    %dma_start3A_78 = tpu.memref_slice %dma_start3A_76[%dma_start3A_77] : memref<1000000xf32, #tpu.memory_space<hbm>> -> memref<1000000xf32, #tpu.memory_space<hbm>>
    tpu.enqueue_indirect_dma source(%dma_start3A_78 : memref<1000000xf32, #tpu.memory_space<hbm>>) target(%dma_start3A_71 : memref<128xf32, #tpu.memory_space<vmem>>) offsets(%dma_start3A_73 : memref<128xi32, #tpu.memory_space<vmem>>) semaphore(%arg14 : memref<!tpu.dma_semaphore, #tpu.memory_space<semaphore_mem>>)
    %dma_start3A_79 = arith.constant 0 : i32
    %dma_start3A_80 = arith.constant 256 : i32
    %dma_start3A_81 = tpu.memref_slice %arg11[%dma_start3A_80] : memref<512xf32, #tpu.memory_space<vmem>> -> memref<128xf32, #tpu.memory_space<vmem>>
    %dma_start3A_82 = arith.constant 256 : i32
    %dma_start3A_83 = tpu.memref_slice %arg9[%dma_start3A_82] : memref<512xi32, #tpu.memory_space<vmem>> -> memref<128xi32, #tpu.memory_space<vmem>>
    %dma_start3A_84 = arith.constant 0 : i32
    %dma_start3A_85 = tpu.memref_slice %arg5[%dma_start3A_79, %dma_start3A_84] : memref<1x100000xf32, #tpu.memory_space<hbm>> -> memref<1x100000xf32, #tpu.memory_space<hbm>>
    %dma_start3A_86 = tpu.memref_squeeze %dma_start3A_85 : memref<1x100000xf32, #tpu.memory_space<hbm>> -> memref<100000xf32, #tpu.memory_space<hbm>>
    %dma_start3A_87 = arith.constant 0 : i32
    %dma_start3A_88 = tpu.memref_slice %dma_start3A_86[%dma_start3A_87] : memref<100000xf32, #tpu.memory_space<hbm>> -> memref<100000xf32, #tpu.memory_space<hbm>>
    tpu.enqueue_indirect_dma source(%dma_start3A_88 : memref<100000xf32, #tpu.memory_space<hbm>>) target(%dma_start3A_81 : memref<128xf32, #tpu.memory_space<vmem>>) offsets(%dma_start3A_83 : memref<128xi32, #tpu.memory_space<vmem>>) semaphore(%arg14 : memref<!tpu.dma_semaphore, #tpu.memory_space<semaphore_mem>>)
    %dma_start3A_89 = arith.constant 0 : i32
    %dma_start3A_90 = arith.constant 256 : i32
    %dma_start3A_91 = tpu.memref_slice %arg12[%dma_start3A_90] : memref<512xf32, #tpu.memory_space<vmem>> -> memref<128xf32, #tpu.memory_space<vmem>>
    %dma_start3A_92 = arith.constant 256 : i32
    %dma_start3A_93 = tpu.memref_slice %arg9[%dma_start3A_92] : memref<512xi32, #tpu.memory_space<vmem>> -> memref<128xi32, #tpu.memory_space<vmem>>
    %dma_start3A_94 = arith.constant 0 : i32
    %dma_start3A_95 = tpu.memref_slice %arg6[%dma_start3A_89, %dma_start3A_94] : memref<1x100000xf32, #tpu.memory_space<hbm>> -> memref<1x100000xf32, #tpu.memory_space<hbm>>
    %dma_start3A_96 = tpu.memref_squeeze %dma_start3A_95 : memref<1x100000xf32, #tpu.memory_space<hbm>> -> memref<100000xf32, #tpu.memory_space<hbm>>
    %dma_start3A_97 = arith.constant 0 : i32
    %dma_start3A_98 = tpu.memref_slice %dma_start3A_96[%dma_start3A_97] : memref<100000xf32, #tpu.memory_space<hbm>> -> memref<100000xf32, #tpu.memory_space<hbm>>
    tpu.enqueue_indirect_dma source(%dma_start3A_98 : memref<100000xf32, #tpu.memory_space<hbm>>) target(%dma_start3A_91 : memref<128xf32, #tpu.memory_space<vmem>>) offsets(%dma_start3A_93 : memref<128xi32, #tpu.memory_space<vmem>>) semaphore(%arg14 : memref<!tpu.dma_semaphore, #tpu.memory_space<semaphore_mem>>)
    %dma_start3A_99 = arith.constant 0 : i32
    %dma_start3A_100 = arith.constant 384 : i32
    %dma_start3A_101 = tpu.memref_slice %arg10[%dma_start3A_100] : memref<512xf32, #tpu.memory_space<vmem>> -> memref<128xf32, #tpu.memory_space<vmem>>
    %dma_start3A_102 = arith.constant 384 : i32
    %dma_start3A_103 = tpu.memref_slice %arg8[%dma_start3A_102] : memref<512xi32, #tpu.memory_space<vmem>> -> memref<128xi32, #tpu.memory_space<vmem>>
    %dma_start3A_104 = arith.constant 0 : i32
    %dma_start3A_105 = tpu.memref_slice %arg4[%dma_start3A_99, %dma_start3A_104] : memref<1x1000000xf32, #tpu.memory_space<hbm>> -> memref<1x1000000xf32, #tpu.memory_space<hbm>>
    %dma_start3A_106 = tpu.memref_squeeze %dma_start3A_105 : memref<1x1000000xf32, #tpu.memory_space<hbm>> -> memref<1000000xf32, #tpu.memory_space<hbm>>
    %dma_start3A_107 = arith.constant 0 : i32
    %dma_start3A_108 = tpu.memref_slice %dma_start3A_106[%dma_start3A_107] : memref<1000000xf32, #tpu.memory_space<hbm>> -> memref<1000000xf32, #tpu.memory_space<hbm>>
    tpu.enqueue_indirect_dma source(%dma_start3A_108 : memref<1000000xf32, #tpu.memory_space<hbm>>) target(%dma_start3A_101 : memref<128xf32, #tpu.memory_space<vmem>>) offsets(%dma_start3A_103 : memref<128xi32, #tpu.memory_space<vmem>>) semaphore(%arg14 : memref<!tpu.dma_semaphore, #tpu.memory_space<semaphore_mem>>)
    %dma_start3A_109 = arith.constant 0 : i32
    %dma_start3A_110 = arith.constant 384 : i32
    %dma_start3A_111 = tpu.memref_slice %arg11[%dma_start3A_110] : memref<512xf32, #tpu.memory_space<vmem>> -> memref<128xf32, #tpu.memory_space<vmem>>
    %dma_start3A_112 = arith.constant 384 : i32
    %dma_start3A_113 = tpu.memref_slice %arg9[%dma_start3A_112] : memref<512xi32, #tpu.memory_space<vmem>> -> memref<128xi32, #tpu.memory_space<vmem>>
    %dma_start3A_114 = arith.constant 0 : i32
    %dma_start3A_115 = tpu.memref_slice %arg5[%dma_start3A_109, %dma_start3A_114] : memref<1x100000xf32, #tpu.memory_space<hbm>> -> memref<1x100000xf32, #tpu.memory_space<hbm>>
    %dma_start3A_116 = tpu.memref_squeeze %dma_start3A_115 : memref<1x100000xf32, #tpu.memory_space<hbm>> -> memref<100000xf32, #tpu.memory_space<hbm>>
    %dma_start3A_117 = arith.constant 0 : i32
    %dma_start3A_118 = tpu.memref_slice %dma_start3A_116[%dma_start3A_117] : memref<100000xf32, #tpu.memory_space<hbm>> -> memref<100000xf32, #tpu.memory_space<hbm>>
    tpu.enqueue_indirect_dma source(%dma_start3A_118 : memref<100000xf32, #tpu.memory_space<hbm>>) target(%dma_start3A_111 : memref<128xf32, #tpu.memory_space<vmem>>) offsets(%dma_start3A_113 : memref<128xi32, #tpu.memory_space<vmem>>) semaphore(%arg14 : memref<!tpu.dma_semaphore, #tpu.memory_space<semaphore_mem>>)
    %dma_start3A_119 = arith.constant 0 : i32
    %dma_start3A_120 = arith.constant 384 : i32
    %dma_start3A_121 = tpu.memref_slice %arg12[%dma_start3A_120] : memref<512xf32, #tpu.memory_space<vmem>> -> memref<128xf32, #tpu.memory_space<vmem>>
    %dma_start3A_122 = arith.constant 384 : i32
    %dma_start3A_123 = tpu.memref_slice %arg9[%dma_start3A_122] : memref<512xi32, #tpu.memory_space<vmem>> -> memref<128xi32, #tpu.memory_space<vmem>>
    %dma_start3A_124 = arith.constant 0 : i32
    %dma_start3A_125 = tpu.memref_slice %arg6[%dma_start3A_119, %dma_start3A_124] : memref<1x100000xf32, #tpu.memory_space<hbm>> -> memref<1x100000xf32, #tpu.memory_space<hbm>>
    %dma_start3A_126 = tpu.memref_squeeze %dma_start3A_125 : memref<1x100000xf32, #tpu.memory_space<hbm>> -> memref<100000xf32, #tpu.memory_space<hbm>>
    %dma_start3A_127 = arith.constant 0 : i32
    %dma_start3A_128 = tpu.memref_slice %dma_start3A_126[%dma_start3A_127] : memref<100000xf32, #tpu.memory_space<hbm>> -> memref<100000xf32, #tpu.memory_space<hbm>>
    tpu.enqueue_indirect_dma source(%dma_start3A_128 : memref<100000xf32, #tpu.memory_space<hbm>>) target(%dma_start3A_121 : memref<128xf32, #tpu.memory_space<vmem>>) offsets(%dma_start3A_123 : memref<128xi32, #tpu.memory_space<vmem>>) semaphore(%arg14 : memref<!tpu.dma_semaphore, #tpu.memory_space<semaphore_mem>>)
    %dma_wait3A_129 = arith.constant 0 : i32
    %dma_wait3A_130 = arith.constant 0 : i32
    %dma_wait3A_131 = tpu.memref_slice %arg10[%dma_wait3A_130] : memref<512xf32, #tpu.memory_space<vmem>> -> memref<128xf32, #tpu.memory_space<vmem>>
    %dma_wait3A_132 = arith.constant 0 : i32
    %dma_wait3A_133 = tpu.memref_slice %arg8[%dma_wait3A_132] : memref<512xi32, #tpu.memory_space<vmem>> -> memref<128xi32, #tpu.memory_space<vmem>>
    %dma_wait3A_134 = arith.constant 0 : i32
    %dma_wait3A_135 = tpu.memref_slice %arg4[%dma_wait3A_129, %dma_wait3A_134] : memref<1x1000000xf32, #tpu.memory_space<hbm>> -> memref<1x1000000xf32, #tpu.memory_space<hbm>>
    %dma_wait3A_136 = tpu.memref_squeeze %dma_wait3A_135 : memref<1x1000000xf32, #tpu.memory_space<hbm>> -> memref<1000000xf32, #tpu.memory_space<hbm>>
    %dma_wait3A_137 = arith.constant 0 : i32
    %dma_wait3A_138 = tpu.memref_slice %dma_wait3A_136[%dma_wait3A_137] : memref<1000000xf32, #tpu.memory_space<hbm>> -> memref<1000000xf32, #tpu.memory_space<hbm>>
    tpu.wait_indirect_dma semaphore(%arg14 : memref<!tpu.dma_semaphore, #tpu.memory_space<semaphore_mem>>) src(%dma_wait3A_138 : memref<1000000xf32, #tpu.memory_space<hbm>>) dst(%dma_wait3A_131 : memref<128xf32, #tpu.memory_space<vmem>>)
    %dma_wait3A_139 = arith.constant 0 : i32
    %dma_wait3A_140 = arith.constant 0 : i32
    %dma_wait3A_141 = tpu.memref_slice %arg11[%dma_wait3A_140] : memref<512xf32, #tpu.memory_space<vmem>> -> memref<128xf32, #tpu.memory_space<vmem>>
    %dma_wait3A_142 = arith.constant 0 : i32
    %dma_wait3A_143 = tpu.memref_slice %arg9[%dma_wait3A_142] : memref<512xi32, #tpu.memory_space<vmem>> -> memref<128xi32, #tpu.memory_space<vmem>>
    %dma_wait3A_144 = arith.constant 0 : i32
    %dma_wait3A_145 = tpu.memref_slice %arg5[%dma_wait3A_139, %dma_wait3A_144] : memref<1x100000xf32, #tpu.memory_space<hbm>> -> memref<1x100000xf32, #tpu.memory_space<hbm>>
    %dma_wait3A_146 = tpu.memref_squeeze %dma_wait3A_145 : memref<1x100000xf32, #tpu.memory_space<hbm>> -> memref<100000xf32, #tpu.memory_space<hbm>>
    %dma_wait3A_147 = arith.constant 0 : i32
    %dma_wait3A_148 = tpu.memref_slice %dma_wait3A_146[%dma_wait3A_147] : memref<100000xf32, #tpu.memory_space<hbm>> -> memref<100000xf32, #tpu.memory_space<hbm>>
    tpu.wait_indirect_dma semaphore(%arg14 : memref<!tpu.dma_semaphore, #tpu.memory_space<semaphore_mem>>) src(%dma_wait3A_148 : memref<100000xf32, #tpu.memory_space<hbm>>) dst(%dma_wait3A_141 : memref<128xf32, #tpu.memory_space<vmem>>)
    %dma_wait3A_149 = arith.constant 0 : i32
    %dma_wait3A_150 = arith.constant 0 : i32
    %dma_wait3A_151 = tpu.memref_slice %arg12[%dma_wait3A_150] : memref<512xf32, #tpu.memory_space<vmem>> -> memref<128xf32, #tpu.memory_space<vmem>>
    %dma_wait3A_152 = arith.constant 0 : i32
    %dma_wait3A_153 = tpu.memref_slice %arg9[%dma_wait3A_152] : memref<512xi32, #tpu.memory_space<vmem>> -> memref<128xi32, #tpu.memory_space<vmem>>
    %dma_wait3A_154 = arith.constant 0 : i32
    %dma_wait3A_155 = tpu.memref_slice %arg6[%dma_wait3A_149, %dma_wait3A_154] : memref<1x100000xf32, #tpu.memory_space<hbm>> -> memref<1x100000xf32, #tpu.memory_space<hbm>>
    %dma_wait3A_156 = tpu.memref_squeeze %dma_wait3A_155 : memref<1x100000xf32, #tpu.memory_space<hbm>> -> memref<100000xf32, #tpu.memory_space<hbm>>
    %dma_wait3A_157 = arith.constant 0 : i32
    %dma_wait3A_158 = tpu.memref_slice %dma_wait3A_156[%dma_wait3A_157] : memref<100000xf32, #tpu.memory_space<hbm>> -> memref<100000xf32, #tpu.memory_space<hbm>>
    tpu.wait_indirect_dma semaphore(%arg14 : memref<!tpu.dma_semaphore, #tpu.memory_space<semaphore_mem>>) src(%dma_wait3A_158 : memref<100000xf32, #tpu.memory_space<hbm>>) dst(%dma_wait3A_151 : memref<128xf32, #tpu.memory_space<vmem>>)
    %get3A = arith.constant 0 : index
    %get3A_159 = tpu.vector_load %arg11[%get3A] {strides = array<i32>} : memref<512xf32, #tpu.memory_space<vmem>>, vector<16xf32>,
    %get3A_160 = vector.shape_cast %get3A_159 : vector<16xf32> to vector<16xf32>
    %get3A_161 = arith.constant 0 : index
    %get3A_162 = tpu.vector_load %arg10[%get3A_161] {strides = array<i32>} : memref<512xf32, #tpu.memory_space<vmem>>, vector<16xf32>,
    %get3A_163 = vector.shape_cast %get3A_162 : vector<16xf32> to vector<16xf32>
    %get3A_164 = arith.constant 0 : index
    %get3A_165 = tpu.vector_load %arg12[%get3A_164] {strides = array<i32>} : memref<512xf32, #tpu.memory_space<vmem>>, vector<16xf32>,
    %get3A_166 = vector.shape_cast %get3A_165 : vector<16xf32> to vector<16xf32>
    %sub3A = arith.subf %get3A_163, %get3A_166 : vector<16xf32>
    %mul3A_167 = arith.mulf %get3A_160, %sub3A : vector<16xf32>
    %neg3A = arith.constant 0.000000e+00 : f32
    %neg3A_168 = vector.broadcast %neg3A : f32 to vector<16xf32>
    %neg3A_169 = arith.subf %neg3A_168, %mul3A_167 : vector<16xf32>
    %exp3A = math.exp %neg3A_169 : vector<16xf32>
    %add3A_170 = arith.constant 1.000000e+00 : f32
    %add3A_171 = vector.broadcast %add3A_170 : f32 to vector<16xf32>
    %add3A_172 = arith.addf %add3A_171, %exp3A : vector<16xf32>
    %div3A = arith.constant 1.000000e+00 : f32
    %div3A_173 = vector.broadcast %div3A : f32 to vector<16xf32>
    %div3A_174 = arith.divf %div3A_173, %add3A_172 : vector<16xf32>
    %swap3A = arith.constant 0 : index
    %swap3A_175 = tpu.vector_load %arg13[%swap3A] {strides = array<i32>} : memref<512xf32, #tpu.memory_space<vmem>>, vector<16xf32>,
    %swap3A_176 = vector.shape_cast %swap3A_175 : vector<16xf32> to vector<16xf32>
    %swap3A_177 = vector.shape_cast %div3A_174 : vector<16xf32> to vector<16xf32>
    tpu.vector_store %arg13[%swap3A], %swap3A_177 {strides = array<i32>} : memref<512xf32, #tpu.memory_space<vmem>>, vector<16xf32>,
    %get3A_178 = arith.constant 16 : index
    %get3A_179 = tpu.vector_load %arg11[%get3A_178] {strides = array<i32>} : memref<512xf32, #tpu.memory_space<vmem>>, vector<16xf32>,
    %get3A_180 = vector.shape_cast %get3A_179 : vector<16xf32> to vector<16xf32>
    %get3A_181 = arith.constant 16 : index
    %get3A_182 = tpu.vector_load %arg10[%get3A_181] {strides = array<i32>} : memref<512xf32, #tpu.memory_space<vmem>>, vector<16xf32>,
    %get3A_183 = vector.shape_cast %get3A_182 : vector<16xf32> to vector<16xf32>
    %get3A_184 = arith.constant 16 : index
    %get3A_185 = tpu.vector_load %arg12[%get3A_184] {strides = array<i32>} : memref<512xf32, #tpu.memory_space<vmem>>, vector<16xf32>,
    %get3A_186 = vector.shape_cast %get3A_185 : vector<16xf32> to vector<16xf32>
    %sub3A_187 = arith.subf %get3A_183, %get3A_186 : vector<16xf32>
    %mul3A_188 = arith.mulf %get3A_180, %sub3A_187 : vector<16xf32>
    %neg3A_189 = arith.constant 0.000000e+00 : f32
    %neg3A_190 = vector.broadcast %neg3A_189 : f32 to vector<16xf32>
    %neg3A_191 = arith.subf %neg3A_190, %mul3A_188 : vector<16xf32>
    %exp3A_192 = math.exp %neg3A_191 : vector<16xf32>
    %add3A_193 = arith.constant 1.000000e+00 : f32
    %add3A_194 = vector.broadcast %add3A_193 : f32 to vector<16xf32>
    %add3A_195 = arith.addf %add3A_194, %exp3A_192 : vector<16xf32>
    %div3A_196 = arith.constant 1.000000e+00 : f32
    %div3A_197 = vector.broadcast %div3A_196 : f32 to vector<16xf32>
    %div3A_198 = arith.divf %div3A_197, %add3A_195 : vector<16xf32>
    %swap3A_199 = arith.constant 16 : index
    %swap3A_200 = tpu.vector_load %arg13[%swap3A_199] {strides = array<i32>} : memref<512xf32, #tpu.memory_space<vmem>>, vector<16xf32>,
    %swap3A_201 = vector.shape_cast %swap3A_200 : vector<16xf32> to vector<16xf32>
    %swap3A_202 = vector.shape_cast %div3A_198 : vector<16xf32> to vector<16xf32>
    tpu.vector_store %arg13[%swap3A_199], %swap3A_202 {strides = array<i32>} : memref<512xf32, #tpu.memory_space<vmem>>, vector<16xf32>,
    %get3A_203 = arith.constant 32 : index
    %get3A_204 = tpu.vector_load %arg11[%get3A_203] {strides = array<i32>} : memref<512xf32, #tpu.memory_space<vmem>>, vector<16xf32>,
    %get3A_205 = vector.shape_cast %get3A_204 : vector<16xf32> to vector<16xf32>
    %get3A_206 = arith.constant 32 : index
    %get3A_207 = tpu.vector_load %arg10[%get3A_206] {strides = array<i32>} : memref<512xf32, #tpu.memory_space<vmem>>, vector<16xf32>,
    %get3A_208 = vector.shape_cast %get3A_207 : vector<16xf32> to vector<16xf32>
    %get3A_209 = arith.constant 32 : index
    %get3A_210 = tpu.vector_load %arg12[%get3A_209] {strides = array<i32>} : memref<512xf32, #tpu.memory_space<vmem>>, vector<16xf32>,
    %get3A_211 = vector.shape_cast %get3A_210 : vector<16xf32> to vector<16xf32>
    %sub3A_212 = arith.subf %get3A_208, %get3A_211 : vector<16xf32>
    %mul3A_213 = arith.mulf %get3A_205, %sub3A_212 : vector<16xf32>
    %neg3A_214 = arith.constant 0.000000e+00 : f32
    %neg3A_215 = vector.broadcast %neg3A_214 : f32 to vector<16xf32>
    %neg3A_216 = arith.subf %neg3A_215, %mul3A_213 : vector<16xf32>
    %exp3A_217 = math.exp %neg3A_216 : vector<16xf32>
    %add3A_218 = arith.constant 1.000000e+00 : f32
    %add3A_219 = vector.broadcast %add3A_218 : f32 to vector<16xf32>
    %add3A_220 = arith.addf %add3A_219, %exp3A_217 : vector<16xf32>
    %div3A_221 = arith.constant 1.000000e+00 : f32
    %div3A_222 = vector.broadcast %div3A_221 : f32 to vector<16xf32>
    %div3A_223 = arith.divf %div3A_222, %add3A_220 : vector<16xf32>
    %swap3A_224 = arith.constant 32 : index
    %swap3A_225 = tpu.vector_load %arg13[%swap3A_224] {strides = array<i32>} : memref<512xf32, #tpu.memory_space<vmem>>, vector<16xf32>,
    %swap3A_226 = vector.shape_cast %swap3A_225 : vector<16xf32> to vector<16xf32>
    %swap3A_227 = vector.shape_cast %div3A_223 : vector<16xf32> to vector<16xf32>
    tpu.vector_store %arg13[%swap3A_224], %swap3A_227 {strides = array<i32>} : memref<512xf32, #tpu.memory_space<vmem>>, vector<16xf32>,
    %get3A_228 = arith.constant 48 : index
    %get3A_229 = tpu.vector_load %arg11[%get3A_228] {strides = array<i32>} : memref<512xf32, #tpu.memory_space<vmem>>, vector<16xf32>,
    %get3A_230 = vector.shape_cast %get3A_229 : vector<16xf32> to vector<16xf32>
    %get3A_231 = arith.constant 48 : index
    %get3A_232 = tpu.vector_load %arg10[%get3A_231] {strides = array<i32>} : memref<512xf32, #tpu.memory_space<vmem>>, vector<16xf32>,
    %get3A_233 = vector.shape_cast %get3A_232 : vector<16xf32> to vector<16xf32>
    %get3A_234 = arith.constant 48 : index
    %get3A_235 = tpu.vector_load %arg12[%get3A_234] {strides = array<i32>} : memref<512xf32, #tpu.memory_space<vmem>>, vector<16xf32>,
    %get3A_236 = vector.shape_cast %get3A_235 : vector<16xf32> to vector<16xf32>
    %sub3A_237 = arith.subf %get3A_233, %get3A_236 : vector<16xf32>
    %mul3A_238 = arith.mulf %get3A_230, %sub3A_237 : vector<16xf32>
    %neg3A_239 = arith.constant 0.000000e+00 : f32
    %neg3A_240 = vector.broadcast %neg3A_239 : f32 to vector<16xf32>
    %neg3A_241 = arith.subf %neg3A_240, %mul3A_238 : vector<16xf32>
    %exp3A_242 = math.exp %neg3A_241 : vector<16xf32>
    %add3A_243 = arith.constant 1.000000e+00 : f32
    %add3A_244 = vector.broadcast %add3A_243 : f32 to vector<16xf32>
    %add3A_245 = arith.addf %add3A_244, %exp3A_242 : vector<16xf32>
    %div3A_246 = arith.constant 1.000000e+00 : f32
    %div3A_247 = vector.broadcast %div3A_246 : f32 to vector<16xf32>
    %div3A_248 = arith.divf %div3A_247, %add3A_245 : vector<16xf32>
    %swap3A_249 = arith.constant 48 : index
    %swap3A_250 = tpu.vector_load %arg13[%swap3A_249] {strides = array<i32>} : memref<512xf32, #tpu.memory_space<vmem>>, vector<16xf32>,
    %swap3A_251 = vector.shape_cast %swap3A_250 : vector<16xf32> to vector<16xf32>
    %swap3A_252 = vector.shape_cast %div3A_248 : vector<16xf32> to vector<16xf32>
    tpu.vector_store %arg13[%swap3A_249], %swap3A_252 {strides = array<i32>} : memref<512xf32, #tpu.memory_space<vmem>>, vector<16xf32>,
    %get3A_253 = arith.constant 64 : index
    %get3A_254 = tpu.vector_load %arg11[%get3A_253] {strides = array<i32>} : memref<512xf32, #tpu.memory_space<vmem>>, vector<16xf32>,
    %get3A_255 = vector.shape_cast %get3A_254 : vector<16xf32> to vector<16xf32>
    %get3A_256 = arith.constant 64 : index
    %get3A_257 = tpu.vector_load %arg10[%get3A_256] {strides = array<i32>} : memref<512xf32, #tpu.memory_space<vmem>>, vector<16xf32>,
    %get3A_258 = vector.shape_cast %get3A_257 : vector<16xf32> to vector<16xf32>
    %get3A_259 = arith.constant 64 : index
    %get3A_260 = tpu.vector_load %arg12[%get3A_259] {strides = array<i32>} : memref<512xf32, #tpu.memory_space<vmem>>, vector<16xf32>,
    %get3A_261 = vector.shape_cast %get3A_260 : vector<16xf32> to vector<16xf32>
    %sub3A_262 = arith.subf %get3A_258, %get3A_261 : vector<16xf32>
    %mul3A_263 = arith.mulf %get3A_255, %sub3A_262 : vector<16xf32>
    %neg3A_264 = arith.constant 0.000000e+00 : f32
    %neg3A_265 = vector.broadcast %neg3A_264 : f32 to vector<16xf32>
    %neg3A_266 = arith.subf %neg3A_265, %mul3A_263 : vector<16xf32>
    %exp3A_267 = math.exp %neg3A_266 : vector<16xf32>
    %add3A_268 = arith.constant 1.000000e+00 : f32
    %add3A_269 = vector.broadcast %add3A_268 : f32 to vector<16xf32>
    %add3A_270 = arith.addf %add3A_269, %exp3A_267 : vector<16xf32>
    %div3A_271 = arith.constant 1.000000e+00 : f32
    %div3A_272 = vector.broadcast %div3A_271 : f32 to vector<16xf32>
    %div3A_273 = arith.divf %div3A_272, %add3A_270 : vector<16xf32>
    %swap3A_274 = arith.constant 64 : index
    %swap3A_275 = tpu.vector_load %arg13[%swap3A_274] {strides = array<i32>} : memref<512xf32, #tpu.memory_space<vmem>>, vector<16xf32>,
    %swap3A_276 = vector.shape_cast %swap3A_275 : vector<16xf32> to vector<16xf32>
    %swap3A_277 = vector.shape_cast %div3A_273 : vector<16xf32> to vector<16xf32>
    tpu.vector_store %arg13[%swap3A_274], %swap3A_277 {strides = array<i32>} : memref<512xf32, #tpu.memory_space<vmem>>, vector<16xf32>,
    %get3A_278 = arith.constant 80 : index
    %get3A_279 = tpu.vector_load %arg11[%get3A_278] {strides = array<i32>} : memref<512xf32, #tpu.memory_space<vmem>>, vector<16xf32>,
    %get3A_280 = vector.shape_cast %get3A_279 : vector<16xf32> to vector<16xf32>
    %get3A_281 = arith.constant 80 : index
    %get3A_282 = tpu.vector_load %arg10[%get3A_281] {strides = array<i32>} : memref<512xf32, #tpu.memory_space<vmem>>, vector<16xf32>,
    %get3A_283 = vector.shape_cast %get3A_282 : vector<16xf32> to vector<16xf32>
    %get3A_284 = arith.constant 80 : index
    %get3A_285 = tpu.vector_load %arg12[%get3A_284] {strides = array<i32>} : memref<512xf32, #tpu.memory_space<vmem>>, vector<16xf32>,
    %get3A_286 = vector.shape_cast %get3A_285 : vector<16xf32> to vector<16xf32>
    %sub3A_287 = arith.subf %get3A_283, %get3A_286 : vector<16xf32>
    %mul3A_288 = arith.mulf %get3A_280, %sub3A_287 : vector<16xf32>
    %neg3A_289 = arith.constant 0.000000e+00 : f32
    %neg3A_290 = vector.broadcast %neg3A_289 : f32 to vector<16xf32>
    %neg3A_291 = arith.subf %neg3A_290, %mul3A_288 : vector<16xf32>
    %exp3A_292 = math.exp %neg3A_291 : vector<16xf32>
    %add3A_293 = arith.constant 1.000000e+00 : f32
    %add3A_294 = vector.broadcast %add3A_293 : f32 to vector<16xf32>
    %add3A_295 = arith.addf %add3A_294, %exp3A_292 : vector<16xf32>
    %div3A_296 = arith.constant 1.000000e+00 : f32
    %div3A_297 = vector.broadcast %div3A_296 : f32 to vector<16xf32>
    %div3A_298 = arith.divf %div3A_297, %add3A_295 : vector<16xf32>
    %swap3A_299 = arith.constant 80 : index
    %swap3A_300 = tpu.vector_load %arg13[%swap3A_299] {strides = array<i32>} : memref<512xf32, #tpu.memory_space<vmem>>, vector<16xf32>,
    %swap3A_301 = vector.shape_cast %swap3A_300 : vector<16xf32> to vector<16xf32>
    %swap3A_302 = vector.shape_cast %div3A_298 : vector<16xf32> to vector<16xf32>
    tpu.vector_store %arg13[%swap3A_299], %swap3A_302 {strides = array<i32>} : memref<512xf32, #tpu.memory_space<vmem>>, vector<16xf32>,
    %get3A_303 = arith.constant 96 : index
    %get3A_304 = tpu.vector_load %arg11[%get3A_303] {strides = array<i32>} : memref<512xf32, #tpu.memory_space<vmem>>, vector<16xf32>,
    %get3A_305 = vector.shape_cast %get3A_304 : vector<16xf32> to vector<16xf32>
    %get3A_306 = arith.constant 96 : index
    %get3A_307 = tpu.vector_load %arg10[%get3A_306] {strides = array<i32>} : memref<512xf32, #tpu.memory_space<vmem>>, vector<16xf32>,
    %get3A_308 = vector.shape_cast %get3A_307 : vector<16xf32> to vector<16xf32>
    %get3A_309 = arith.constant 96 : index
    %get3A_310 = tpu.vector_load %arg12[%get3A_309] {strides = array<i32>} : memref<512xf32, #tpu.memory_space<vmem>>, vector<16xf32>,
    %get3A_311 = vector.shape_cast %get3A_310 : vector<16xf32> to vector<16xf32>
    %sub3A_312 = arith.subf %get3A_308, %get3A_311 : vector<16xf32>
    %mul3A_313 = arith.mulf %get3A_305, %sub3A_312 : vector<16xf32>
    %neg3A_314 = arith.constant 0.000000e+00 : f32
    %neg3A_315 = vector.broadcast %neg3A_314 : f32 to vector<16xf32>
    %neg3A_316 = arith.subf %neg3A_315, %mul3A_313 : vector<16xf32>
    %exp3A_317 = math.exp %neg3A_316 : vector<16xf32>
    %add3A_318 = arith.constant 1.000000e+00 : f32
    %add3A_319 = vector.broadcast %add3A_318 : f32 to vector<16xf32>
    %add3A_320 = arith.addf %add3A_319, %exp3A_317 : vector<16xf32>
    %div3A_321 = arith.constant 1.000000e+00 : f32
    %div3A_322 = vector.broadcast %div3A_321 : f32 to vector<16xf32>
    %div3A_323 = arith.divf %div3A_322, %add3A_320 : vector<16xf32>
    %swap3A_324 = arith.constant 96 : index
    %swap3A_325 = tpu.vector_load %arg13[%swap3A_324] {strides = array<i32>} : memref<512xf32, #tpu.memory_space<vmem>>, vector<16xf32>,
    %swap3A_326 = vector.shape_cast %swap3A_325 : vector<16xf32> to vector<16xf32>
    %swap3A_327 = vector.shape_cast %div3A_323 : vector<16xf32> to vector<16xf32>
    tpu.vector_store %arg13[%swap3A_324], %swap3A_327 {strides = array<i32>} : memref<512xf32, #tpu.memory_space<vmem>>, vector<16xf32>,
    %get3A_328 = arith.constant 112 : index
    %get3A_329 = tpu.vector_load %arg11[%get3A_328] {strides = array<i32>} : memref<512xf32, #tpu.memory_space<vmem>>, vector<16xf32>,
    %get3A_330 = vector.shape_cast %get3A_329 : vector<16xf32> to vector<16xf32>
    %get3A_331 = arith.constant 112 : index
    %get3A_332 = tpu.vector_load %arg10[%get3A_331] {strides = array<i32>} : memref<512xf32, #tpu.memory_space<vmem>>, vector<16xf32>,
    %get3A_333 = vector.shape_cast %get3A_332 : vector<16xf32> to vector<16xf32>
    %get3A_334 = arith.constant 112 : index
    %get3A_335 = tpu.vector_load %arg12[%get3A_334] {strides = array<i32>} : memref<512xf32, #tpu.memory_space<vmem>>, vector<16xf32>,
    %get3A_336 = vector.shape_cast %get3A_335 : vector<16xf32> to vector<16xf32>
    %sub3A_337 = arith.subf %get3A_333, %get3A_336 : vector<16xf32>
    %mul3A_338 = arith.mulf %get3A_330, %sub3A_337 : vector<16xf32>
    %neg3A_339 = arith.constant 0.000000e+00 : f32
    %neg3A_340 = vector.broadcast %neg3A_339 : f32 to vector<16xf32>
    %neg3A_341 = arith.subf %neg3A_340, %mul3A_338 : vector<16xf32>
    %exp3A_342 = math.exp %neg3A_341 : vector<16xf32>
    %add3A_343 = arith.constant 1.000000e+00 : f32
    %add3A_344 = vector.broadcast %add3A_343 : f32 to vector<16xf32>
    %add3A_345 = arith.addf %add3A_344, %exp3A_342 : vector<16xf32>
    %div3A_346 = arith.constant 1.000000e+00 : f32
    %div3A_347 = vector.broadcast %div3A_346 : f32 to vector<16xf32>
    %div3A_348 = arith.divf %div3A_347, %add3A_345 : vector<16xf32>
    %swap3A_349 = arith.constant 112 : index
    %swap3A_350 = tpu.vector_load %arg13[%swap3A_349] {strides = array<i32>} : memref<512xf32, #tpu.memory_space<vmem>>, vector<16xf32>,
    %swap3A_351 = vector.shape_cast %swap3A_350 : vector<16xf32> to vector<16xf32>
    %swap3A_352 = vector.shape_cast %div3A_348 : vector<16xf32> to vector<16xf32>
    tpu.vector_store %arg13[%swap3A_349], %swap3A_352 {strides = array<i32>} : memref<512xf32, #tpu.memory_space<vmem>>, vector<16xf32>,
    %add3A_353 = arith.constant 0 : i32
    %add3A_354 = arith.addi %mul3A_2, %add3A_353 : i32
    %dma_start3A_355 = arith.constant 0 : i32
    %dma_start3A_356 = tpu.memref_slice %arg13[%dma_start3A_355] : memref<512xf32, #tpu.memory_space<vmem>> -> memref<128xf32, #tpu.memory_space<vmem>>
    %dma_start3A_357 = tpu.memref_slice %arg7[%add3A_354] : memref<16384xf32, #tpu.memory_space<hbm>> -> memref<128xf32, #tpu.memory_space<hbm>>
    %dma_start3A_358 = tpu.memref_slice %arg7[%add3A_354] : memref<16384xf32, #tpu.memory_space<hbm>> -> memref<128xf32, #tpu.memory_space<hbm>>
    %dma_start3A_359 = arith.constant 0 : i32
    %dma_start3A_360 = tpu.memref_slice %arg13[%dma_start3A_359] : memref<512xf32, #tpu.memory_space<vmem>> -> memref<128xf32, #tpu.memory_space<vmem>>
    tpu.enqueue_dma source(%dma_start3A_360 : memref<128xf32, #tpu.memory_space<vmem>>) target(%dma_start3A_358 : memref<128xf32, #tpu.memory_space<hbm>>) target_semaphore(%arg16 : memref<!tpu.dma_semaphore, #tpu.memory_space<semaphore_mem>>)
    %dma_wait3A_361 = arith.constant 0 : i32
    %dma_wait3A_362 = arith.constant 128 : i32
    %dma_wait3A_363 = tpu.memref_slice %arg10[%dma_wait3A_362] : memref<512xf32, #tpu.memory_space<vmem>> -> memref<128xf32, #tpu.memory_space<vmem>>
    %dma_wait3A_364 = arith.constant 128 : i32
    %dma_wait3A_365 = tpu.memref_slice %arg8[%dma_wait3A_364] : memref<512xi32, #tpu.memory_space<vmem>> -> memref<128xi32, #tpu.memory_space<vmem>>
    %dma_wait3A_366 = arith.constant 0 : i32
    %dma_wait3A_367 = tpu.memref_slice %arg4[%dma_wait3A_361, %dma_wait3A_366] : memref<1x1000000xf32, #tpu.memory_space<hbm>> -> memref<1x1000000xf32, #tpu.memory_space<hbm>>
    %dma_wait3A_368 = tpu.memref_squeeze %dma_wait3A_367 : memref<1x1000000xf32, #tpu.memory_space<hbm>> -> memref<1000000xf32, #tpu.memory_space<hbm>>
    %dma_wait3A_369 = arith.constant 0 : i32
    %dma_wait3A_370 = tpu.memref_slice %dma_wait3A_368[%dma_wait3A_369] : memref<1000000xf32, #tpu.memory_space<hbm>> -> memref<1000000xf32, #tpu.memory_space<hbm>>
    tpu.wait_indirect_dma semaphore(%arg14 : memref<!tpu.dma_semaphore, #tpu.memory_space<semaphore_mem>>) src(%dma_wait3A_370 : memref<1000000xf32, #tpu.memory_space<hbm>>) dst(%dma_wait3A_363 : memref<128xf32, #tpu.memory_space<vmem>>)
    %dma_wait3A_371 = arith.constant 0 : i32
    %dma_wait3A_372 = arith.constant 128 : i32
    %dma_wait3A_373 = tpu.memref_slice %arg11[%dma_wait3A_372] : memref<512xf32, #tpu.memory_space<vmem>> -> memref<128xf32, #tpu.memory_space<vmem>>
    %dma_wait3A_374 = arith.constant 128 : i32
    %dma_wait3A_375 = tpu.memref_slice %arg9[%dma_wait3A_374] : memref<512xi32, #tpu.memory_space<vmem>> -> memref<128xi32, #tpu.memory_space<vmem>>
    %dma_wait3A_376 = arith.constant 0 : i32
    %dma_wait3A_377 = tpu.memref_slice %arg5[%dma_wait3A_371, %dma_wait3A_376] : memref<1x100000xf32, #tpu.memory_space<hbm>> -> memref<1x100000xf32, #tpu.memory_space<hbm>>
    %dma_wait3A_378 = tpu.memref_squeeze %dma_wait3A_377 : memref<1x100000xf32, #tpu.memory_space<hbm>> -> memref<100000xf32, #tpu.memory_space<hbm>>
    %dma_wait3A_379 = arith.constant 0 : i32
    %dma_wait3A_380 = tpu.memref_slice %dma_wait3A_378[%dma_wait3A_379] : memref<100000xf32, #tpu.memory_space<hbm>> -> memref<100000xf32, #tpu.memory_space<hbm>>
    tpu.wait_indirect_dma semaphore(%arg14 : memref<!tpu.dma_semaphore, #tpu.memory_space<semaphore_mem>>) src(%dma_wait3A_380 : memref<100000xf32, #tpu.memory_space<hbm>>) dst(%dma_wait3A_373 : memref<128xf32, #tpu.memory_space<vmem>>)
    %dma_wait3A_381 = arith.constant 0 : i32
    %dma_wait3A_382 = arith.constant 128 : i32
    %dma_wait3A_383 = tpu.memref_slice %arg12[%dma_wait3A_382] : memref<512xf32, #tpu.memory_space<vmem>> -> memref<128xf32, #tpu.memory_space<vmem>>
    %dma_wait3A_384 = arith.constant 128 : i32
    %dma_wait3A_385 = tpu.memref_slice %arg9[%dma_wait3A_384] : memref<512xi32, #tpu.memory_space<vmem>> -> memref<128xi32, #tpu.memory_space<vmem>>
    %dma_wait3A_386 = arith.constant 0 : i32
    %dma_wait3A_387 = tpu.memref_slice %arg6[%dma_wait3A_381, %dma_wait3A_386] : memref<1x100000xf32, #tpu.memory_space<hbm>> -> memref<1x100000xf32, #tpu.memory_space<hbm>>
    %dma_wait3A_388 = tpu.memref_squeeze %dma_wait3A_387 : memref<1x100000xf32, #tpu.memory_space<hbm>> -> memref<100000xf32, #tpu.memory_space<hbm>>
    %dma_wait3A_389 = arith.constant 0 : i32
    %dma_wait3A_390 = tpu.memref_slice %dma_wait3A_388[%dma_wait3A_389] : memref<100000xf32, #tpu.memory_space<hbm>> -> memref<100000xf32, #tpu.memory_space<hbm>>
    tpu.wait_indirect_dma semaphore(%arg14 : memref<!tpu.dma_semaphore, #tpu.memory_space<semaphore_mem>>) src(%dma_wait3A_390 : memref<100000xf32, #tpu.memory_space<hbm>>) dst(%dma_wait3A_383 : memref<128xf32, #tpu.memory_space<vmem>>)
    %get3A_391 = arith.constant 128 : index
    %get3A_392 = tpu.vector_load %arg11[%get3A_391] {strides = array<i32>} : memref<512xf32, #tpu.memory_space<vmem>>, vector<16xf32>,
    %get3A_393 = vector.shape_cast %get3A_392 : vector<16xf32> to vector<16xf32>
    %get3A_394 = arith.constant 128 : index
    %get3A_395 = tpu.vector_load %arg10[%get3A_394] {strides = array<i32>} : memref<512xf32, #tpu.memory_space<vmem>>, vector<16xf32>,
    %get3A_396 = vector.shape_cast %get3A_395 : vector<16xf32> to vector<16xf32>
    %get3A_397 = arith.constant 128 : index
    %get3A_398 = tpu.vector_load %arg12[%get3A_397] {strides = array<i32>} : memref<512xf32, #tpu.memory_space<vmem>>, vector<16xf32>,
    %get3A_399 = vector.shape_cast %get3A_398 : vector<16xf32> to vector<16xf32>
    %sub3A_400 = arith.subf %get3A_396, %get3A_399 : vector<16xf32>
    %mul3A_401 = arith.mulf %get3A_393, %sub3A_400 : vector<16xf32>
    %neg3A_402 = arith.constant 0.000000e+00 : f32
    %neg3A_403 = vector.broadcast %neg3A_402 : f32 to vector<16xf32>
    %neg3A_404 = arith.subf %neg3A_403, %mul3A_401 : vector<16xf32>
    %exp3A_405 = math.exp %neg3A_404 : vector<16xf32>
    %add3A_406 = arith.constant 1.000000e+00 : f32
    %add3A_407 = vector.broadcast %add3A_406 : f32 to vector<16xf32>
    %add3A_408 = arith.addf %add3A_407, %exp3A_405 : vector<16xf32>
    %div3A_409 = arith.constant 1.000000e+00 : f32
    %div3A_410 = vector.broadcast %div3A_409 : f32 to vector<16xf32>
    %div3A_411 = arith.divf %div3A_410, %add3A_408 : vector<16xf32>
    %swap3A_412 = arith.constant 128 : index
    %swap3A_413 = tpu.vector_load %arg13[%swap3A_412] {strides = array<i32>} : memref<512xf32, #tpu.memory_space<vmem>>, vector<16xf32>,
    %swap3A_414 = vector.shape_cast %swap3A_413 : vector<16xf32> to vector<16xf32>
    %swap3A_415 = vector.shape_cast %div3A_411 : vector<16xf32> to vector<16xf32>
    tpu.vector_store %arg13[%swap3A_412], %swap3A_415 {strides = array<i32>} : memref<512xf32, #tpu.memory_space<vmem>>, vector<16xf32>,
    %get3A_416 = arith.constant 144 : index
    %get3A_417 = tpu.vector_load %arg11[%get3A_416] {strides = array<i32>} : memref<512xf32, #tpu.memory_space<vmem>>, vector<16xf32>,
    %get3A_418 = vector.shape_cast %get3A_417 : vector<16xf32> to vector<16xf32>
    %get3A_419 = arith.constant 144 : index
    %get3A_420 = tpu.vector_load %arg10[%get3A_419] {strides = array<i32>} : memref<512xf32, #tpu.memory_space<vmem>>, vector<16xf32>,
    %get3A_421 = vector.shape_cast %get3A_420 : vector<16xf32> to vector<16xf32>
    %get3A_422 = arith.constant 144 : index
    %get3A_423 = tpu.vector_load %arg12[%get3A_422] {strides = array<i32>} : memref<512xf32, #tpu.memory_space<vmem>>, vector<16xf32>,
    %get3A_424 = vector.shape_cast %get3A_423 : vector<16xf32> to vector<16xf32>
    %sub3A_425 = arith.subf %get3A_421, %get3A_424 : vector<16xf32>
    %mul3A_426 = arith.mulf %get3A_418, %sub3A_425 : vector<16xf32>
    %neg3A_427 = arith.constant 0.000000e+00 : f32
    %neg3A_428 = vector.broadcast %neg3A_427 : f32 to vector<16xf32>
    %neg3A_429 = arith.subf %neg3A_428, %mul3A_426 : vector<16xf32>
    %exp3A_430 = math.exp %neg3A_429 : vector<16xf32>
    %add3A_431 = arith.constant 1.000000e+00 : f32
    %add3A_432 = vector.broadcast %add3A_431 : f32 to vector<16xf32>
    %add3A_433 = arith.addf %add3A_432, %exp3A_430 : vector<16xf32>
    %div3A_434 = arith.constant 1.000000e+00 : f32
    %div3A_435 = vector.broadcast %div3A_434 : f32 to vector<16xf32>
    %div3A_436 = arith.divf %div3A_435, %add3A_433 : vector<16xf32>
    %swap3A_437 = arith.constant 144 : index
    %swap3A_438 = tpu.vector_load %arg13[%swap3A_437] {strides = array<i32>} : memref<512xf32, #tpu.memory_space<vmem>>, vector<16xf32>,
    %swap3A_439 = vector.shape_cast %swap3A_438 : vector<16xf32> to vector<16xf32>
    %swap3A_440 = vector.shape_cast %div3A_436 : vector<16xf32> to vector<16xf32>
    tpu.vector_store %arg13[%swap3A_437], %swap3A_440 {strides = array<i32>} : memref<512xf32, #tpu.memory_space<vmem>>, vector<16xf32>,
    %get3A_441 = arith.constant 160 : index
    %get3A_442 = tpu.vector_load %arg11[%get3A_441] {strides = array<i32>} : memref<512xf32, #tpu.memory_space<vmem>>, vector<16xf32>,
    %get3A_443 = vector.shape_cast %get3A_442 : vector<16xf32> to vector<16xf32>
    %get3A_444 = arith.constant 160 : index
    %get3A_445 = tpu.vector_load %arg10[%get3A_444] {strides = array<i32>} : memref<512xf32, #tpu.memory_space<vmem>>, vector<16xf32>,
    %get3A_446 = vector.shape_cast %get3A_445 : vector<16xf32> to vector<16xf32>
    %get3A_447 = arith.constant 160 : index
    %get3A_448 = tpu.vector_load %arg12[%get3A_447] {strides = array<i32>} : memref<512xf32, #tpu.memory_space<vmem>>, vector<16xf32>,
    %get3A_449 = vector.shape_cast %get3A_448 : vector<16xf32> to vector<16xf32>
    %sub3A_450 = arith.subf %get3A_446, %get3A_449 : vector<16xf32>
    %mul3A_451 = arith.mulf %get3A_443, %sub3A_450 : vector<16xf32>
    %neg3A_452 = arith.constant 0.000000e+00 : f32
    %neg3A_453 = vector.broadcast %neg3A_452 : f32 to vector<16xf32>
    %neg3A_454 = arith.subf %neg3A_453, %mul3A_451 : vector<16xf32>
    %exp3A_455 = math.exp %neg3A_454 : vector<16xf32>
    %add3A_456 = arith.constant 1.000000e+00 : f32
    %add3A_457 = vector.broadcast %add3A_456 : f32 to vector<16xf32>
    %add3A_458 = arith.addf %add3A_457, %exp3A_455 : vector<16xf32>
    %div3A_459 = arith.constant 1.000000e+00 : f32
    %div3A_460 = vector.broadcast %div3A_459 : f32 to vector<16xf32>
    %div3A_461 = arith.divf %div3A_460, %add3A_458 : vector<16xf32>
    %swap3A_462 = arith.constant 160 : index
    %swap3A_463 = tpu.vector_load %arg13[%swap3A_462] {strides = array<i32>} : memref<512xf32, #tpu.memory_space<vmem>>, vector<16xf32>,
    %swap3A_464 = vector.shape_cast %swap3A_463 : vector<16xf32> to vector<16xf32>
    %swap3A_465 = vector.shape_cast %div3A_461 : vector<16xf32> to vector<16xf32>
    tpu.vector_store %arg13[%swap3A_462], %swap3A_465 {strides = array<i32>} : memref<512xf32, #tpu.memory_space<vmem>>, vector<16xf32>,
    %get3A_466 = arith.constant 176 : index
    %get3A_467 = tpu.vector_load %arg11[%get3A_466] {strides = array<i32>} : memref<512xf32, #tpu.memory_space<vmem>>, vector<16xf32>,
    %get3A_468 = vector.shape_cast %get3A_467 : vector<16xf32> to vector<16xf32>
    %get3A_469 = arith.constant 176 : index
    %get3A_470 = tpu.vector_load %arg10[%get3A_469] {strides = array<i32>} : memref<512xf32, #tpu.memory_space<vmem>>, vector<16xf32>,
    %get3A_471 = vector.shape_cast %get3A_470 : vector<16xf32> to vector<16xf32>
    %get3A_472 = arith.constant 176 : index
    %get3A_473 = tpu.vector_load %arg12[%get3A_472] {strides = array<i32>} : memref<512xf32, #tpu.memory_space<vmem>>, vector<16xf32>,
    %get3A_474 = vector.shape_cast %get3A_473 : vector<16xf32> to vector<16xf32>
    %sub3A_475 = arith.subf %get3A_471, %get3A_474 : vector<16xf32>
    %mul3A_476 = arith.mulf %get3A_468, %sub3A_475 : vector<16xf32>
    %neg3A_477 = arith.constant 0.000000e+00 : f32
    %neg3A_478 = vector.broadcast %neg3A_477 : f32 to vector<16xf32>
    %neg3A_479 = arith.subf %neg3A_478, %mul3A_476 : vector<16xf32>
    %exp3A_480 = math.exp %neg3A_479 : vector<16xf32>
    %add3A_481 = arith.constant 1.000000e+00 : f32
    %add3A_482 = vector.broadcast %add3A_481 : f32 to vector<16xf32>
    %add3A_483 = arith.addf %add3A_482, %exp3A_480 : vector<16xf32>
    %div3A_484 = arith.constant 1.000000e+00 : f32
    %div3A_485 = vector.broadcast %div3A_484 : f32 to vector<16xf32>
    %div3A_486 = arith.divf %div3A_485, %add3A_483 : vector<16xf32>
    %swap3A_487 = arith.constant 176 : index
    %swap3A_488 = tpu.vector_load %arg13[%swap3A_487] {strides = array<i32>} : memref<512xf32, #tpu.memory_space<vmem>>, vector<16xf32>,
    %swap3A_489 = vector.shape_cast %swap3A_488 : vector<16xf32> to vector<16xf32>
    %swap3A_490 = vector.shape_cast %div3A_486 : vector<16xf32> to vector<16xf32>
    tpu.vector_store %arg13[%swap3A_487], %swap3A_490 {strides = array<i32>} : memref<512xf32, #tpu.memory_space<vmem>>, vector<16xf32>,
    %get3A_491 = arith.constant 192 : index
    %get3A_492 = tpu.vector_load %arg11[%get3A_491] {strides = array<i32>} : memref<512xf32, #tpu.memory_space<vmem>>, vector<16xf32>,
    %get3A_493 = vector.shape_cast %get3A_492 : vector<16xf32> to vector<16xf32>
    %get3A_494 = arith.constant 192 : index
    %get3A_495 = tpu.vector_load %arg10[%get3A_494] {strides = array<i32>} : memref<512xf32, #tpu.memory_space<vmem>>, vector<16xf32>,
    %get3A_496 = vector.shape_cast %get3A_495 : vector<16xf32> to vector<16xf32>
    %get3A_497 = arith.constant 192 : index
    %get3A_498 = tpu.vector_load %arg12[%get3A_497] {strides = array<i32>} : memref<512xf32, #tpu.memory_space<vmem>>, vector<16xf32>,
    %get3A_499 = vector.shape_cast %get3A_498 : vector<16xf32> to vector<16xf32>
    %sub3A_500 = arith.subf %get3A_496, %get3A_499 : vector<16xf32>
    %mul3A_501 = arith.mulf %get3A_493, %sub3A_500 : vector<16xf32>
    %neg3A_502 = arith.constant 0.000000e+00 : f32
    %neg3A_503 = vector.broadcast %neg3A_502 : f32 to vector<16xf32>
    %neg3A_504 = arith.subf %neg3A_503, %mul3A_501 : vector<16xf32>
    %exp3A_505 = math.exp %neg3A_504 : vector<16xf32>
    %add3A_506 = arith.constant 1.000000e+00 : f32
    %add3A_507 = vector.broadcast %add3A_506 : f32 to vector<16xf32>
    %add3A_508 = arith.addf %add3A_507, %exp3A_505 : vector<16xf32>
    %div3A_509 = arith.constant 1.000000e+00 : f32
    %div3A_510 = vector.broadcast %div3A_509 : f32 to vector<16xf32>
    %div3A_511 = arith.divf %div3A_510, %add3A_508 : vector<16xf32>
    %swap3A_512 = arith.constant 192 : index
    %swap3A_513 = tpu.vector_load %arg13[%swap3A_512] {strides = array<i32>} : memref<512xf32, #tpu.memory_space<vmem>>, vector<16xf32>,
    %swap3A_514 = vector.shape_cast %swap3A_513 : vector<16xf32> to vector<16xf32>
    %swap3A_515 = vector.shape_cast %div3A_511 : vector<16xf32> to vector<16xf32>
    tpu.vector_store %arg13[%swap3A_512], %swap3A_515 {strides = array<i32>} : memref<512xf32, #tpu.memory_space<vmem>>, vector<16xf32>,
    %get3A_516 = arith.constant 208 : index
    %get3A_517 = tpu.vector_load %arg11[%get3A_516] {strides = array<i32>} : memref<512xf32, #tpu.memory_space<vmem>>, vector<16xf32>,
    %get3A_518 = vector.shape_cast %get3A_517 : vector<16xf32> to vector<16xf32>
    %get3A_519 = arith.constant 208 : index
    %get3A_520 = tpu.vector_load %arg10[%get3A_519] {strides = array<i32>} : memref<512xf32, #tpu.memory_space<vmem>>, vector<16xf32>,
    %get3A_521 = vector.shape_cast %get3A_520 : vector<16xf32> to vector<16xf32>
    %get3A_522 = arith.constant 208 : index
    %get3A_523 = tpu.vector_load %arg12[%get3A_522] {strides = array<i32>} : memref<512xf32, #tpu.memory_space<vmem>>, vector<16xf32>,
    %get3A_524 = vector.shape_cast %get3A_523 : vector<16xf32> to vector<16xf32>
    %sub3A_525 = arith.subf %get3A_521, %get3A_524 : vector<16xf32>
    %mul3A_526 = arith.mulf %get3A_518, %sub3A_525 : vector<16xf32>
    %neg3A_527 = arith.constant 0.000000e+00 : f32
    %neg3A_528 = vector.broadcast %neg3A_527 : f32 to vector<16xf32>
    %neg3A_529 = arith.subf %neg3A_528, %mul3A_526 : vector<16xf32>
    %exp3A_530 = math.exp %neg3A_529 : vector<16xf32>
    %add3A_531 = arith.constant 1.000000e+00 : f32
    %add3A_532 = vector.broadcast %add3A_531 : f32 to vector<16xf32>
    %add3A_533 = arith.addf %add3A_532, %exp3A_530 : vector<16xf32>
    %div3A_534 = arith.constant 1.000000e+00 : f32
    %div3A_535 = vector.broadcast %div3A_534 : f32 to vector<16xf32>
    %div3A_536 = arith.divf %div3A_535, %add3A_533 : vector<16xf32>
    %swap3A_537 = arith.constant 208 : index
    %swap3A_538 = tpu.vector_load %arg13[%swap3A_537] {strides = array<i32>} : memref<512xf32, #tpu.memory_space<vmem>>, vector<16xf32>,
    %swap3A_539 = vector.shape_cast %swap3A_538 : vector<16xf32> to vector<16xf32>
    %swap3A_540 = vector.shape_cast %div3A_536 : vector<16xf32> to vector<16xf32>
    tpu.vector_store %arg13[%swap3A_537], %swap3A_540 {strides = array<i32>} : memref<512xf32, #tpu.memory_space<vmem>>, vector<16xf32>,
    %get3A_541 = arith.constant 224 : index
    %get3A_542 = tpu.vector_load %arg11[%get3A_541] {strides = array<i32>} : memref<512xf32, #tpu.memory_space<vmem>>, vector<16xf32>,
    %get3A_543 = vector.shape_cast %get3A_542 : vector<16xf32> to vector<16xf32>
    %get3A_544 = arith.constant 224 : index
    %get3A_545 = tpu.vector_load %arg10[%get3A_544] {strides = array<i32>} : memref<512xf32, #tpu.memory_space<vmem>>, vector<16xf32>,
    %get3A_546 = vector.shape_cast %get3A_545 : vector<16xf32> to vector<16xf32>
    %get3A_547 = arith.constant 224 : index
    %get3A_548 = tpu.vector_load %arg12[%get3A_547] {strides = array<i32>} : memref<512xf32, #tpu.memory_space<vmem>>, vector<16xf32>,
    %get3A_549 = vector.shape_cast %get3A_548 : vector<16xf32> to vector<16xf32>
    %sub3A_550 = arith.subf %get3A_546, %get3A_549 : vector<16xf32>
    %mul3A_551 = arith.mulf %get3A_543, %sub3A_550 : vector<16xf32>
    %neg3A_552 = arith.constant 0.000000e+00 : f32
    %neg3A_553 = vector.broadcast %neg3A_552 : f32 to vector<16xf32>
    %neg3A_554 = arith.subf %neg3A_553, %mul3A_551 : vector<16xf32>
    %exp3A_555 = math.exp %neg3A_554 : vector<16xf32>
    %add3A_556 = arith.constant 1.000000e+00 : f32
    %add3A_557 = vector.broadcast %add3A_556 : f32 to vector<16xf32>
    %add3A_558 = arith.addf %add3A_557, %exp3A_555 : vector<16xf32>
    %div3A_559 = arith.constant 1.000000e+00 : f32
    %div3A_560 = vector.broadcast %div3A_559 : f32 to vector<16xf32>
    %div3A_561 = arith.divf %div3A_560, %add3A_558 : vector<16xf32>
    %swap3A_562 = arith.constant 224 : index
    %swap3A_563 = tpu.vector_load %arg13[%swap3A_562] {strides = array<i32>} : memref<512xf32, #tpu.memory_space<vmem>>, vector<16xf32>,
    %swap3A_564 = vector.shape_cast %swap3A_563 : vector<16xf32> to vector<16xf32>
    %swap3A_565 = vector.shape_cast %div3A_561 : vector<16xf32> to vector<16xf32>
    tpu.vector_store %arg13[%swap3A_562], %swap3A_565 {strides = array<i32>} : memref<512xf32, #tpu.memory_space<vmem>>, vector<16xf32>,
    %get3A_566 = arith.constant 240 : index
    %get3A_567 = tpu.vector_load %arg11[%get3A_566] {strides = array<i32>} : memref<512xf32, #tpu.memory_space<vmem>>, vector<16xf32>,
    %get3A_568 = vector.shape_cast %get3A_567 : vector<16xf32> to vector<16xf32>
    %get3A_569 = arith.constant 240 : index
    %get3A_570 = tpu.vector_load %arg10[%get3A_569] {strides = array<i32>} : memref<512xf32, #tpu.memory_space<vmem>>, vector<16xf32>,
    %get3A_571 = vector.shape_cast %get3A_570 : vector<16xf32> to vector<16xf32>
    %get3A_572 = arith.constant 240 : index
    %get3A_573 = tpu.vector_load %arg12[%get3A_572] {strides = array<i32>} : memref<512xf32, #tpu.memory_space<vmem>>, vector<16xf32>,
    %get3A_574 = vector.shape_cast %get3A_573 : vector<16xf32> to vector<16xf32>
    %sub3A_575 = arith.subf %get3A_571, %get3A_574 : vector<16xf32>
    %mul3A_576 = arith.mulf %get3A_568, %sub3A_575 : vector<16xf32>
    %neg3A_577 = arith.constant 0.000000e+00 : f32
    %neg3A_578 = vector.broadcast %neg3A_577 : f32 to vector<16xf32>
    %neg3A_579 = arith.subf %neg3A_578, %mul3A_576 : vector<16xf32>
    %exp3A_580 = math.exp %neg3A_579 : vector<16xf32>
    %add3A_581 = arith.constant 1.000000e+00 : f32
    %add3A_582 = vector.broadcast %add3A_581 : f32 to vector<16xf32>
    %add3A_583 = arith.addf %add3A_582, %exp3A_580 : vector<16xf32>
    %div3A_584 = arith.constant 1.000000e+00 : f32
    %div3A_585 = vector.broadcast %div3A_584 : f32 to vector<16xf32>
    %div3A_586 = arith.divf %div3A_585, %add3A_583 : vector<16xf32>
    %swap3A_587 = arith.constant 240 : index
    %swap3A_588 = tpu.vector_load %arg13[%swap3A_587] {strides = array<i32>} : memref<512xf32, #tpu.memory_space<vmem>>, vector<16xf32>,
    %swap3A_589 = vector.shape_cast %swap3A_588 : vector<16xf32> to vector<16xf32>
    %swap3A_590 = vector.shape_cast %div3A_586 : vector<16xf32> to vector<16xf32>
    tpu.vector_store %arg13[%swap3A_587], %swap3A_590 {strides = array<i32>} : memref<512xf32, #tpu.memory_space<vmem>>, vector<16xf32>,
    %add3A_591 = arith.constant 128 : i32
    %add3A_592 = arith.addi %mul3A_2, %add3A_591 : i32
    %dma_start3A_593 = arith.constant 128 : i32
    %dma_start3A_594 = tpu.memref_slice %arg13[%dma_start3A_593] : memref<512xf32, #tpu.memory_space<vmem>> -> memref<128xf32, #tpu.memory_space<vmem>>
    %dma_start3A_595 = tpu.memref_slice %arg7[%add3A_592] : memref<16384xf32, #tpu.memory_space<hbm>> -> memref<128xf32, #tpu.memory_space<hbm>>
    %dma_start3A_596 = tpu.memref_slice %arg7[%add3A_592] : memref<16384xf32, #tpu.memory_space<hbm>> -> memref<128xf32, #tpu.memory_space<hbm>>
    %dma_start3A_597 = arith.constant 128 : i32
    %dma_start3A_598 = tpu.memref_slice %arg13[%dma_start3A_597] : memref<512xf32, #tpu.memory_space<vmem>> -> memref<128xf32, #tpu.memory_space<vmem>>
    tpu.enqueue_dma source(%dma_start3A_598 : memref<128xf32, #tpu.memory_space<vmem>>) target(%dma_start3A_596 : memref<128xf32, #tpu.memory_space<hbm>>) target_semaphore(%arg16 : memref<!tpu.dma_semaphore, #tpu.memory_space<semaphore_mem>>)
    %dma_wait3A_599 = arith.constant 0 : i32
    %dma_wait3A_600 = arith.constant 256 : i32
    %dma_wait3A_601 = tpu.memref_slice %arg10[%dma_wait3A_600] : memref<512xf32, #tpu.memory_space<vmem>> -> memref<128xf32, #tpu.memory_space<vmem>>
    %dma_wait3A_602 = arith.constant 256 : i32
    %dma_wait3A_603 = tpu.memref_slice %arg8[%dma_wait3A_602] : memref<512xi32, #tpu.memory_space<vmem>> -> memref<128xi32, #tpu.memory_space<vmem>>
    %dma_wait3A_604 = arith.constant 0 : i32
    %dma_wait3A_605 = tpu.memref_slice %arg4[%dma_wait3A_599, %dma_wait3A_604] : memref<1x1000000xf32, #tpu.memory_space<hbm>> -> memref<1x1000000xf32, #tpu.memory_space<hbm>>
    %dma_wait3A_606 = tpu.memref_squeeze %dma_wait3A_605 : memref<1x1000000xf32, #tpu.memory_space<hbm>> -> memref<1000000xf32, #tpu.memory_space<hbm>>
    %dma_wait3A_607 = arith.constant 0 : i32
    %dma_wait3A_608 = tpu.memref_slice %dma_wait3A_606[%dma_wait3A_607] : memref<1000000xf32, #tpu.memory_space<hbm>> -> memref<1000000xf32, #tpu.memory_space<hbm>>
    tpu.wait_indirect_dma semaphore(%arg14 : memref<!tpu.dma_semaphore, #tpu.memory_space<semaphore_mem>>) src(%dma_wait3A_608 : memref<1000000xf32, #tpu.memory_space<hbm>>) dst(%dma_wait3A_601 : memref<128xf32, #tpu.memory_space<vmem>>)
    %dma_wait3A_609 = arith.constant 0 : i32
    %dma_wait3A_610 = arith.constant 256 : i32
    %dma_wait3A_611 = tpu.memref_slice %arg11[%dma_wait3A_610] : memref<512xf32, #tpu.memory_space<vmem>> -> memref<128xf32, #tpu.memory_space<vmem>>
    %dma_wait3A_612 = arith.constant 256 : i32
    %dma_wait3A_613 = tpu.memref_slice %arg9[%dma_wait3A_612] : memref<512xi32, #tpu.memory_space<vmem>> -> memref<128xi32, #tpu.memory_space<vmem>>
    %dma_wait3A_614 = arith.constant 0 : i32
    %dma_wait3A_615 = tpu.memref_slice %arg5[%dma_wait3A_609, %dma_wait3A_614] : memref<1x100000xf32, #tpu.memory_space<hbm>> -> memref<1x100000xf32, #tpu.memory_space<hbm>>
    %dma_wait3A_616 = tpu.memref_squeeze %dma_wait3A_615 : memref<1x100000xf32, #tpu.memory_space<hbm>> -> memref<100000xf32, #tpu.memory_space<hbm>>
    %dma_wait3A_617 = arith.constant 0 : i32
    %dma_wait3A_618 = tpu.memref_slice %dma_wait3A_616[%dma_wait3A_617] : memref<100000xf32, #tpu.memory_space<hbm>> -> memref<100000xf32, #tpu.memory_space<hbm>>
    tpu.wait_indirect_dma semaphore(%arg14 : memref<!tpu.dma_semaphore, #tpu.memory_space<semaphore_mem>>) src(%dma_wait3A_618 : memref<100000xf32, #tpu.memory_space<hbm>>) dst(%dma_wait3A_611 : memref<128xf32, #tpu.memory_space<vmem>>)
    %dma_wait3A_619 = arith.constant 0 : i32
    %dma_wait3A_620 = arith.constant 256 : i32
    %dma_wait3A_621 = tpu.memref_slice %arg12[%dma_wait3A_620] : memref<512xf32, #tpu.memory_space<vmem>> -> memref<128xf32, #tpu.memory_space<vmem>>
    %dma_wait3A_622 = arith.constant 256 : i32
    %dma_wait3A_623 = tpu.memref_slice %arg9[%dma_wait3A_622] : memref<512xi32, #tpu.memory_space<vmem>> -> memref<128xi32, #tpu.memory_space<vmem>>
    %dma_wait3A_624 = arith.constant 0 : i32
    %dma_wait3A_625 = tpu.memref_slice %arg6[%dma_wait3A_619, %dma_wait3A_624] : memref<1x100000xf32, #tpu.memory_space<hbm>> -> memref<1x100000xf32, #tpu.memory_space<hbm>>
    %dma_wait3A_626 = tpu.memref_squeeze %dma_wait3A_625 : memref<1x100000xf32, #tpu.memory_space<hbm>> -> memref<100000xf32, #tpu.memory_space<hbm>>
    %dma_wait3A_627 = arith.constant 0 : i32
    %dma_wait3A_628 = tpu.memref_slice %dma_wait3A_626[%dma_wait3A_627] : memref<100000xf32, #tpu.memory_space<hbm>> -> memref<100000xf32, #tpu.memory_space<hbm>>
    tpu.wait_indirect_dma semaphore(%arg14 : memref<!tpu.dma_semaphore, #tpu.memory_space<semaphore_mem>>) src(%dma_wait3A_628 : memref<100000xf32, #tpu.memory_space<hbm>>) dst(%dma_wait3A_621 : memref<128xf32, #tpu.memory_space<vmem>>)
    %get3A_629 = arith.constant 256 : index
    %get3A_630 = tpu.vector_load %arg11[%get3A_629] {strides = array<i32>} : memref<512xf32, #tpu.memory_space<vmem>>, vector<16xf32>,
    %get3A_631 = vector.shape_cast %get3A_630 : vector<16xf32> to vector<16xf32>
    %get3A_632 = arith.constant 256 : index
    %get3A_633 = tpu.vector_load %arg10[%get3A_632] {strides = array<i32>} : memref<512xf32, #tpu.memory_space<vmem>>, vector<16xf32>,
    %get3A_634 = vector.shape_cast %get3A_633 : vector<16xf32> to vector<16xf32>
    %get3A_635 = arith.constant 256 : index
    %get3A_636 = tpu.vector_load %arg12[%get3A_635] {strides = array<i32>} : memref<512xf32, #tpu.memory_space<vmem>>, vector<16xf32>,
    %get3A_637 = vector.shape_cast %get3A_636 : vector<16xf32> to vector<16xf32>
    %sub3A_638 = arith.subf %get3A_634, %get3A_637 : vector<16xf32>
    %mul3A_639 = arith.mulf %get3A_631, %sub3A_638 : vector<16xf32>
    %neg3A_640 = arith.constant 0.000000e+00 : f32
    %neg3A_641 = vector.broadcast %neg3A_640 : f32 to vector<16xf32>
    %neg3A_642 = arith.subf %neg3A_641, %mul3A_639 : vector<16xf32>
    %exp3A_643 = math.exp %neg3A_642 : vector<16xf32>
    %add3A_644 = arith.constant 1.000000e+00 : f32
    %add3A_645 = vector.broadcast %add3A_644 : f32 to vector<16xf32>
    %add3A_646 = arith.addf %add3A_645, %exp3A_643 : vector<16xf32>
    %div3A_647 = arith.constant 1.000000e+00 : f32
    %div3A_648 = vector.broadcast %div3A_647 : f32 to vector<16xf32>
    %div3A_649 = arith.divf %div3A_648, %add3A_646 : vector<16xf32>
    %swap3A_650 = arith.constant 256 : index
    %swap3A_651 = tpu.vector_load %arg13[%swap3A_650] {strides = array<i32>} : memref<512xf32, #tpu.memory_space<vmem>>, vector<16xf32>,
    %swap3A_652 = vector.shape_cast %swap3A_651 : vector<16xf32> to vector<16xf32>
    %swap3A_653 = vector.shape_cast %div3A_649 : vector<16xf32> to vector<16xf32>
    tpu.vector_store %arg13[%swap3A_650], %swap3A_653 {strides = array<i32>} : memref<512xf32, #tpu.memory_space<vmem>>, vector<16xf32>,
    %get3A_654 = arith.constant 272 : index
    %get3A_655 = tpu.vector_load %arg11[%get3A_654] {strides = array<i32>} : memref<512xf32, #tpu.memory_space<vmem>>, vector<16xf32>,
    %get3A_656 = vector.shape_cast %get3A_655 : vector<16xf32> to vector<16xf32>
    %get3A_657 = arith.constant 272 : index
    %get3A_658 = tpu.vector_load %arg10[%get3A_657] {strides = array<i32>} : memref<512xf32, #tpu.memory_space<vmem>>, vector<16xf32>,
    %get3A_659 = vector.shape_cast %get3A_658 : vector<16xf32> to vector<16xf32>
    %get3A_660 = arith.constant 272 : index
    %get3A_661 = tpu.vector_load %arg12[%get3A_660] {strides = array<i32>} : memref<512xf32, #tpu.memory_space<vmem>>, vector<16xf32>,
    %get3A_662 = vector.shape_cast %get3A_661 : vector<16xf32> to vector<16xf32>
    %sub3A_663 = arith.subf %get3A_659, %get3A_662 : vector<16xf32>
    %mul3A_664 = arith.mulf %get3A_656, %sub3A_663 : vector<16xf32>
    %neg3A_665 = arith.constant 0.000000e+00 : f32
    %neg3A_666 = vector.broadcast %neg3A_665 : f32 to vector<16xf32>
    %neg3A_667 = arith.subf %neg3A_666, %mul3A_664 : vector<16xf32>
    %exp3A_668 = math.exp %neg3A_667 : vector<16xf32>
    %add3A_669 = arith.constant 1.000000e+00 : f32
    %add3A_670 = vector.broadcast %add3A_669 : f32 to vector<16xf32>
    %add3A_671 = arith.addf %add3A_670, %exp3A_668 : vector<16xf32>
    %div3A_672 = arith.constant 1.000000e+00 : f32
    %div3A_673 = vector.broadcast %div3A_672 : f32 to vector<16xf32>
    %div3A_674 = arith.divf %div3A_673, %add3A_671 : vector<16xf32>
    %swap3A_675 = arith.constant 272 : index
    %swap3A_676 = tpu.vector_load %arg13[%swap3A_675] {strides = array<i32>} : memref<512xf32, #tpu.memory_space<vmem>>, vector<16xf32>,
    %swap3A_677 = vector.shape_cast %swap3A_676 : vector<16xf32> to vector<16xf32>
    %swap3A_678 = vector.shape_cast %div3A_674 : vector<16xf32> to vector<16xf32>
    tpu.vector_store %arg13[%swap3A_675], %swap3A_678 {strides = array<i32>} : memref<512xf32, #tpu.memory_space<vmem>>, vector<16xf32>,
    %get3A_679 = arith.constant 288 : index
    %get3A_680 = tpu.vector_load %arg11[%get3A_679] {strides = array<i32>} : memref<512xf32, #tpu.memory_space<vmem>>, vector<16xf32>,
    %get3A_681 = vector.shape_cast %get3A_680 : vector<16xf32> to vector<16xf32>
    %get3A_682 = arith.constant 288 : index
    %get3A_683 = tpu.vector_load %arg10[%get3A_682] {strides = array<i32>} : memref<512xf32, #tpu.memory_space<vmem>>, vector<16xf32>,
    %get3A_684 = vector.shape_cast %get3A_683 : vector<16xf32> to vector<16xf32>
    %get3A_685 = arith.constant 288 : index
    %get3A_686 = tpu.vector_load %arg12[%get3A_685] {strides = array<i32>} : memref<512xf32, #tpu.memory_space<vmem>>, vector<16xf32>,
    %get3A_687 = vector.shape_cast %get3A_686 : vector<16xf32> to vector<16xf32>
    %sub3A_688 = arith.subf %get3A_684, %get3A_687 : vector<16xf32>
    %mul3A_689 = arith.mulf %get3A_681, %sub3A_688 : vector<16xf32>
    %neg3A_690 = arith.constant 0.000000e+00 : f32
    %neg3A_691 = vector.broadcast %neg3A_690 : f32 to vector<16xf32>
    %neg3A_692 = arith.subf %neg3A_691, %mul3A_689 : vector<16xf32>
    %exp3A_693 = math.exp %neg3A_692 : vector<16xf32>
    %add3A_694 = arith.constant 1.000000e+00 : f32
    %add3A_695 = vector.broadcast %add3A_694 : f32 to vector<16xf32>
    %add3A_696 = arith.addf %add3A_695, %exp3A_693 : vector<16xf32>
    %div3A_697 = arith.constant 1.000000e+00 : f32
    %div3A_698 = vector.broadcast %div3A_697 : f32 to vector<16xf32>
    %div3A_699 = arith.divf %div3A_698, %add3A_696 : vector<16xf32>
    %swap3A_700 = arith.constant 288 : index
    %swap3A_701 = tpu.vector_load %arg13[%swap3A_700] {strides = array<i32>} : memref<512xf32, #tpu.memory_space<vmem>>, vector<16xf32>,
    %swap3A_702 = vector.shape_cast %swap3A_701 : vector<16xf32> to vector<16xf32>
    %swap3A_703 = vector.shape_cast %div3A_699 : vector<16xf32> to vector<16xf32>
    tpu.vector_store %arg13[%swap3A_700], %swap3A_703 {strides = array<i32>} : memref<512xf32, #tpu.memory_space<vmem>>, vector<16xf32>,
    %get3A_704 = arith.constant 304 : index
    %get3A_705 = tpu.vector_load %arg11[%get3A_704] {strides = array<i32>} : memref<512xf32, #tpu.memory_space<vmem>>, vector<16xf32>,
    %get3A_706 = vector.shape_cast %get3A_705 : vector<16xf32> to vector<16xf32>
    %get3A_707 = arith.constant 304 : index
    %get3A_708 = tpu.vector_load %arg10[%get3A_707] {strides = array<i32>} : memref<512xf32, #tpu.memory_space<vmem>>, vector<16xf32>,
    %get3A_709 = vector.shape_cast %get3A_708 : vector<16xf32> to vector<16xf32>
    %get3A_710 = arith.constant 304 : index
    %get3A_711 = tpu.vector_load %arg12[%get3A_710] {strides = array<i32>} : memref<512xf32, #tpu.memory_space<vmem>>, vector<16xf32>,
    %get3A_712 = vector.shape_cast %get3A_711 : vector<16xf32> to vector<16xf32>
    %sub3A_713 = arith.subf %get3A_709, %get3A_712 : vector<16xf32>
    %mul3A_714 = arith.mulf %get3A_706, %sub3A_713 : vector<16xf32>
    %neg3A_715 = arith.constant 0.000000e+00 : f32
    %neg3A_716 = vector.broadcast %neg3A_715 : f32 to vector<16xf32>
    %neg3A_717 = arith.subf %neg3A_716, %mul3A_714 : vector<16xf32>
    %exp3A_718 = math.exp %neg3A_717 : vector<16xf32>
    %add3A_719 = arith.constant 1.000000e+00 : f32
    %add3A_720 = vector.broadcast %add3A_719 : f32 to vector<16xf32>
    %add3A_721 = arith.addf %add3A_720, %exp3A_718 : vector<16xf32>
    %div3A_722 = arith.constant 1.000000e+00 : f32
    %div3A_723 = vector.broadcast %div3A_722 : f32 to vector<16xf32>
    %div3A_724 = arith.divf %div3A_723, %add3A_721 : vector<16xf32>
    %swap3A_725 = arith.constant 304 : index
    %swap3A_726 = tpu.vector_load %arg13[%swap3A_725] {strides = array<i32>} : memref<512xf32, #tpu.memory_space<vmem>>, vector<16xf32>,
    %swap3A_727 = vector.shape_cast %swap3A_726 : vector<16xf32> to vector<16xf32>
    %swap3A_728 = vector.shape_cast %div3A_724 : vector<16xf32> to vector<16xf32>
    tpu.vector_store %arg13[%swap3A_725], %swap3A_728 {strides = array<i32>} : memref<512xf32, #tpu.memory_space<vmem>>, vector<16xf32>,
    %get3A_729 = arith.constant 320 : index
    %get3A_730 = tpu.vector_load %arg11[%get3A_729] {strides = array<i32>} : memref<512xf32, #tpu.memory_space<vmem>>, vector<16xf32>,
    %get3A_731 = vector.shape_cast %get3A_730 : vector<16xf32> to vector<16xf32>
    %get3A_732 = arith.constant 320 : index
    %get3A_733 = tpu.vector_load %arg10[%get3A_732] {strides = array<i32>} : memref<512xf32, #tpu.memory_space<vmem>>, vector<16xf32>,
    %get3A_734 = vector.shape_cast %get3A_733 : vector<16xf32> to vector<16xf32>
    %get3A_735 = arith.constant 320 : index
    %get3A_736 = tpu.vector_load %arg12[%get3A_735] {strides = array<i32>} : memref<512xf32, #tpu.memory_space<vmem>>, vector<16xf32>,
    %get3A_737 = vector.shape_cast %get3A_736 : vector<16xf32> to vector<16xf32>
    %sub3A_738 = arith.subf %get3A_734, %get3A_737 : vector<16xf32>
    %mul3A_739 = arith.mulf %get3A_731, %sub3A_738 : vector<16xf32>
    %neg3A_740 = arith.constant 0.000000e+00 : f32
    %neg3A_741 = vector.broadcast %neg3A_740 : f32 to vector<16xf32>
    %neg3A_742 = arith.subf %neg3A_741, %mul3A_739 : vector<16xf32>
    %exp3A_743 = math.exp %neg3A_742 : vector<16xf32>
    %add3A_744 = arith.constant 1.000000e+00 : f32
    %add3A_745 = vector.broadcast %add3A_744 : f32 to vector<16xf32>
    %add3A_746 = arith.addf %add3A_745, %exp3A_743 : vector<16xf32>
    %div3A_747 = arith.constant 1.000000e+00 : f32
    %div3A_748 = vector.broadcast %div3A_747 : f32 to vector<16xf32>
    %div3A_749 = arith.divf %div3A_748, %add3A_746 : vector<16xf32>
    %swap3A_750 = arith.constant 320 : index
    %swap3A_751 = tpu.vector_load %arg13[%swap3A_750] {strides = array<i32>} : memref<512xf32, #tpu.memory_space<vmem>>, vector<16xf32>,
    %swap3A_752 = vector.shape_cast %swap3A_751 : vector<16xf32> to vector<16xf32>
    %swap3A_753 = vector.shape_cast %div3A_749 : vector<16xf32> to vector<16xf32>
    tpu.vector_store %arg13[%swap3A_750], %swap3A_753 {strides = array<i32>} : memref<512xf32, #tpu.memory_space<vmem>>, vector<16xf32>,
    %get3A_754 = arith.constant 336 : index
    %get3A_755 = tpu.vector_load %arg11[%get3A_754] {strides = array<i32>} : memref<512xf32, #tpu.memory_space<vmem>>, vector<16xf32>,
    %get3A_756 = vector.shape_cast %get3A_755 : vector<16xf32> to vector<16xf32>
    %get3A_757 = arith.constant 336 : index
    %get3A_758 = tpu.vector_load %arg10[%get3A_757] {strides = array<i32>} : memref<512xf32, #tpu.memory_space<vmem>>, vector<16xf32>,
    %get3A_759 = vector.shape_cast %get3A_758 : vector<16xf32> to vector<16xf32>
    %get3A_760 = arith.constant 336 : index
    %get3A_761 = tpu.vector_load %arg12[%get3A_760] {strides = array<i32>} : memref<512xf32, #tpu.memory_space<vmem>>, vector<16xf32>,
    %get3A_762 = vector.shape_cast %get3A_761 : vector<16xf32> to vector<16xf32>
    %sub3A_763 = arith.subf %get3A_759, %get3A_762 : vector<16xf32>
    %mul3A_764 = arith.mulf %get3A_756, %sub3A_763 : vector<16xf32>
    %neg3A_765 = arith.constant 0.000000e+00 : f32
    %neg3A_766 = vector.broadcast %neg3A_765 : f32 to vector<16xf32>
    %neg3A_767 = arith.subf %neg3A_766, %mul3A_764 : vector<16xf32>
    %exp3A_768 = math.exp %neg3A_767 : vector<16xf32>
    %add3A_769 = arith.constant 1.000000e+00 : f32
    %add3A_770 = vector.broadcast %add3A_769 : f32 to vector<16xf32>
    %add3A_771 = arith.addf %add3A_770, %exp3A_768 : vector<16xf32>
    %div3A_772 = arith.constant 1.000000e+00 : f32
    %div3A_773 = vector.broadcast %div3A_772 : f32 to vector<16xf32>
    %div3A_774 = arith.divf %div3A_773, %add3A_771 : vector<16xf32>
    %swap3A_775 = arith.constant 336 : index
    %swap3A_776 = tpu.vector_load %arg13[%swap3A_775] {strides = array<i32>} : memref<512xf32, #tpu.memory_space<vmem>>, vector<16xf32>,
    %swap3A_777 = vector.shape_cast %swap3A_776 : vector<16xf32> to vector<16xf32>
    %swap3A_778 = vector.shape_cast %div3A_774 : vector<16xf32> to vector<16xf32>
    tpu.vector_store %arg13[%swap3A_775], %swap3A_778 {strides = array<i32>} : memref<512xf32, #tpu.memory_space<vmem>>, vector<16xf32>,
    %get3A_779 = arith.constant 352 : index
    %get3A_780 = tpu.vector_load %arg11[%get3A_779] {strides = array<i32>} : memref<512xf32, #tpu.memory_space<vmem>>, vector<16xf32>,
    %get3A_781 = vector.shape_cast %get3A_780 : vector<16xf32> to vector<16xf32>
    %get3A_782 = arith.constant 352 : index
    %get3A_783 = tpu.vector_load %arg10[%get3A_782] {strides = array<i32>} : memref<512xf32, #tpu.memory_space<vmem>>, vector<16xf32>,
    %get3A_784 = vector.shape_cast %get3A_783 : vector<16xf32> to vector<16xf32>
    %get3A_785 = arith.constant 352 : index
    %get3A_786 = tpu.vector_load %arg12[%get3A_785] {strides = array<i32>} : memref<512xf32, #tpu.memory_space<vmem>>, vector<16xf32>,
    %get3A_787 = vector.shape_cast %get3A_786 : vector<16xf32> to vector<16xf32>
    %sub3A_788 = arith.subf %get3A_784, %get3A_787 : vector<16xf32>
    %mul3A_789 = arith.mulf %get3A_781, %sub3A_788 : vector<16xf32>
    %neg3A_790 = arith.constant 0.000000e+00 : f32
    %neg3A_791 = vector.broadcast %neg3A_790 : f32 to vector<16xf32>
    %neg3A_792 = arith.subf %neg3A_791, %mul3A_789 : vector<16xf32>
    %exp3A_793 = math.exp %neg3A_792 : vector<16xf32>
    %add3A_794 = arith.constant 1.000000e+00 : f32
    %add3A_795 = vector.broadcast %add3A_794 : f32 to vector<16xf32>
    %add3A_796 = arith.addf %add3A_795, %exp3A_793 : vector<16xf32>
    %div3A_797 = arith.constant 1.000000e+00 : f32
    %div3A_798 = vector.broadcast %div3A_797 : f32 to vector<16xf32>
    %div3A_799 = arith.divf %div3A_798, %add3A_796 : vector<16xf32>
    %swap3A_800 = arith.constant 352 : index
    %swap3A_801 = tpu.vector_load %arg13[%swap3A_800] {strides = array<i32>} : memref<512xf32, #tpu.memory_space<vmem>>, vector<16xf32>,
    %swap3A_802 = vector.shape_cast %swap3A_801 : vector<16xf32> to vector<16xf32>
    %swap3A_803 = vector.shape_cast %div3A_799 : vector<16xf32> to vector<16xf32>
    tpu.vector_store %arg13[%swap3A_800], %swap3A_803 {strides = array<i32>} : memref<512xf32, #tpu.memory_space<vmem>>, vector<16xf32>,
    %get3A_804 = arith.constant 368 : index
    %get3A_805 = tpu.vector_load %arg11[%get3A_804] {strides = array<i32>} : memref<512xf32, #tpu.memory_space<vmem>>, vector<16xf32>,
    %get3A_806 = vector.shape_cast %get3A_805 : vector<16xf32> to vector<16xf32>
    %get3A_807 = arith.constant 368 : index
    %get3A_808 = tpu.vector_load %arg10[%get3A_807] {strides = array<i32>} : memref<512xf32, #tpu.memory_space<vmem>>, vector<16xf32>,
    %get3A_809 = vector.shape_cast %get3A_808 : vector<16xf32> to vector<16xf32>
    %get3A_810 = arith.constant 368 : index
    %get3A_811 = tpu.vector_load %arg12[%get3A_810] {strides = array<i32>} : memref<512xf32, #tpu.memory_space<vmem>>, vector<16xf32>,
    %get3A_812 = vector.shape_cast %get3A_811 : vector<16xf32> to vector<16xf32>
    %sub3A_813 = arith.subf %get3A_809, %get3A_812 : vector<16xf32>
    %mul3A_814 = arith.mulf %get3A_806, %sub3A_813 : vector<16xf32>
    %neg3A_815 = arith.constant 0.000000e+00 : f32
    %neg3A_816 = vector.broadcast %neg3A_815 : f32 to vector<16xf32>
    %neg3A_817 = arith.subf %neg3A_816, %mul3A_814 : vector<16xf32>
    %exp3A_818 = math.exp %neg3A_817 : vector<16xf32>
    %add3A_819 = arith.constant 1.000000e+00 : f32
    %add3A_820 = vector.broadcast %add3A_819 : f32 to vector<16xf32>
    %add3A_821 = arith.addf %add3A_820, %exp3A_818 : vector<16xf32>
    %div3A_822 = arith.constant 1.000000e+00 : f32
    %div3A_823 = vector.broadcast %div3A_822 : f32 to vector<16xf32>
    %div3A_824 = arith.divf %div3A_823, %add3A_821 : vector<16xf32>
    %swap3A_825 = arith.constant 368 : index
    %swap3A_826 = tpu.vector_load %arg13[%swap3A_825] {strides = array<i32>} : memref<512xf32, #tpu.memory_space<vmem>>, vector<16xf32>,
    %swap3A_827 = vector.shape_cast %swap3A_826 : vector<16xf32> to vector<16xf32>
    %swap3A_828 = vector.shape_cast %div3A_824 : vector<16xf32> to vector<16xf32>
    tpu.vector_store %arg13[%swap3A_825], %swap3A_828 {strides = array<i32>} : memref<512xf32, #tpu.memory_space<vmem>>, vector<16xf32>,
    %add3A_829 = arith.constant 256 : i32
    %add3A_830 = arith.addi %mul3A_2, %add3A_829 : i32
    %dma_start3A_831 = arith.constant 256 : i32
    %dma_start3A_832 = tpu.memref_slice %arg13[%dma_start3A_831] : memref<512xf32, #tpu.memory_space<vmem>> -> memref<128xf32, #tpu.memory_space<vmem>>
    %dma_start3A_833 = tpu.memref_slice %arg7[%add3A_830] : memref<16384xf32, #tpu.memory_space<hbm>> -> memref<128xf32, #tpu.memory_space<hbm>>
    %dma_start3A_834 = tpu.memref_slice %arg7[%add3A_830] : memref<16384xf32, #tpu.memory_space<hbm>> -> memref<128xf32, #tpu.memory_space<hbm>>
    %dma_start3A_835 = arith.constant 256 : i32
    %dma_start3A_836 = tpu.memref_slice %arg13[%dma_start3A_835] : memref<512xf32, #tpu.memory_space<vmem>> -> memref<128xf32, #tpu.memory_space<vmem>>
    tpu.enqueue_dma source(%dma_start3A_836 : memref<128xf32, #tpu.memory_space<vmem>>) target(%dma_start3A_834 : memref<128xf32, #tpu.memory_space<hbm>>) target_semaphore(%arg16 : memref<!tpu.dma_semaphore, #tpu.memory_space<semaphore_mem>>)
    %dma_wait3A_837 = arith.constant 0 : i32
    %dma_wait3A_838 = arith.constant 384 : i32
    %dma_wait3A_839 = tpu.memref_slice %arg10[%dma_wait3A_838] : memref<512xf32, #tpu.memory_space<vmem>> -> memref<128xf32, #tpu.memory_space<vmem>>
    %dma_wait3A_840 = arith.constant 384 : i32
    %dma_wait3A_841 = tpu.memref_slice %arg8[%dma_wait3A_840] : memref<512xi32, #tpu.memory_space<vmem>> -> memref<128xi32, #tpu.memory_space<vmem>>
    %dma_wait3A_842 = arith.constant 0 : i32
    %dma_wait3A_843 = tpu.memref_slice %arg4[%dma_wait3A_837, %dma_wait3A_842] : memref<1x1000000xf32, #tpu.memory_space<hbm>> -> memref<1x1000000xf32, #tpu.memory_space<hbm>>
    %dma_wait3A_844 = tpu.memref_squeeze %dma_wait3A_843 : memref<1x1000000xf32, #tpu.memory_space<hbm>> -> memref<1000000xf32, #tpu.memory_space<hbm>>
    %dma_wait3A_845 = arith.constant 0 : i32
    %dma_wait3A_846 = tpu.memref_slice %dma_wait3A_844[%dma_wait3A_845] : memref<1000000xf32, #tpu.memory_space<hbm>> -> memref<1000000xf32, #tpu.memory_space<hbm>>
    tpu.wait_indirect_dma semaphore(%arg14 : memref<!tpu.dma_semaphore, #tpu.memory_space<semaphore_mem>>) src(%dma_wait3A_846 : memref<1000000xf32, #tpu.memory_space<hbm>>) dst(%dma_wait3A_839 : memref<128xf32, #tpu.memory_space<vmem>>)
    %dma_wait3A_847 = arith.constant 0 : i32
    %dma_wait3A_848 = arith.constant 384 : i32
    %dma_wait3A_849 = tpu.memref_slice %arg11[%dma_wait3A_848] : memref<512xf32, #tpu.memory_space<vmem>> -> memref<128xf32, #tpu.memory_space<vmem>>
    %dma_wait3A_850 = arith.constant 384 : i32
    %dma_wait3A_851 = tpu.memref_slice %arg9[%dma_wait3A_850] : memref<512xi32, #tpu.memory_space<vmem>> -> memref<128xi32, #tpu.memory_space<vmem>>
    %dma_wait3A_852 = arith.constant 0 : i32
    %dma_wait3A_853 = tpu.memref_slice %arg5[%dma_wait3A_847, %dma_wait3A_852] : memref<1x100000xf32, #tpu.memory_space<hbm>> -> memref<1x100000xf32, #tpu.memory_space<hbm>>
    %dma_wait3A_854 = tpu.memref_squeeze %dma_wait3A_853 : memref<1x100000xf32, #tpu.memory_space<hbm>> -> memref<100000xf32, #tpu.memory_space<hbm>>
    %dma_wait3A_855 = arith.constant 0 : i32
    %dma_wait3A_856 = tpu.memref_slice %dma_wait3A_854[%dma_wait3A_855] : memref<100000xf32, #tpu.memory_space<hbm>> -> memref<100000xf32, #tpu.memory_space<hbm>>
    tpu.wait_indirect_dma semaphore(%arg14 : memref<!tpu.dma_semaphore, #tpu.memory_space<semaphore_mem>>) src(%dma_wait3A_856 : memref<100000xf32, #tpu.memory_space<hbm>>) dst(%dma_wait3A_849 : memref<128xf32, #tpu.memory_space<vmem>>)
    %dma_wait3A_857 = arith.constant 0 : i32
    %dma_wait3A_858 = arith.constant 384 : i32
    %dma_wait3A_859 = tpu.memref_slice %arg12[%dma_wait3A_858] : memref<512xf32, #tpu.memory_space<vmem>> -> memref<128xf32, #tpu.memory_space<vmem>>
    %dma_wait3A_860 = arith.constant 384 : i32
    %dma_wait3A_861 = tpu.memref_slice %arg9[%dma_wait3A_860] : memref<512xi32, #tpu.memory_space<vmem>> -> memref<128xi32, #tpu.memory_space<vmem>>
    %dma_wait3A_862 = arith.constant 0 : i32
    %dma_wait3A_863 = tpu.memref_slice %arg6[%dma_wait3A_857, %dma_wait3A_862] : memref<1x100000xf32, #tpu.memory_space<hbm>> -> memref<1x100000xf32, #tpu.memory_space<hbm>>
    %dma_wait3A_864 = tpu.memref_squeeze %dma_wait3A_863 : memref<1x100000xf32, #tpu.memory_space<hbm>> -> memref<100000xf32, #tpu.memory_space<hbm>>
    %dma_wait3A_865 = arith.constant 0 : i32
    %dma_wait3A_866 = tpu.memref_slice %dma_wait3A_864[%dma_wait3A_865] : memref<100000xf32, #tpu.memory_space<hbm>> -> memref<100000xf32, #tpu.memory_space<hbm>>
    tpu.wait_indirect_dma semaphore(%arg14 : memref<!tpu.dma_semaphore, #tpu.memory_space<semaphore_mem>>) src(%dma_wait3A_866 : memref<100000xf32, #tpu.memory_space<hbm>>) dst(%dma_wait3A_859 : memref<128xf32, #tpu.memory_space<vmem>>)
    %get3A_867 = arith.constant 384 : index
    %get3A_868 = tpu.vector_load %arg11[%get3A_867] {strides = array<i32>} : memref<512xf32, #tpu.memory_space<vmem>>, vector<16xf32>,
    %get3A_869 = vector.shape_cast %get3A_868 : vector<16xf32> to vector<16xf32>
    %get3A_870 = arith.constant 384 : index
    %get3A_871 = tpu.vector_load %arg10[%get3A_870] {strides = array<i32>} : memref<512xf32, #tpu.memory_space<vmem>>, vector<16xf32>,
    %get3A_872 = vector.shape_cast %get3A_871 : vector<16xf32> to vector<16xf32>
    %get3A_873 = arith.constant 384 : index
    %get3A_874 = tpu.vector_load %arg12[%get3A_873] {strides = array<i32>} : memref<512xf32, #tpu.memory_space<vmem>>, vector<16xf32>,
    %get3A_875 = vector.shape_cast %get3A_874 : vector<16xf32> to vector<16xf32>
    %sub3A_876 = arith.subf %get3A_872, %get3A_875 : vector<16xf32>
    %mul3A_877 = arith.mulf %get3A_869, %sub3A_876 : vector<16xf32>
    %neg3A_878 = arith.constant 0.000000e+00 : f32
    %neg3A_879 = vector.broadcast %neg3A_878 : f32 to vector<16xf32>
    %neg3A_880 = arith.subf %neg3A_879, %mul3A_877 : vector<16xf32>
    %exp3A_881 = math.exp %neg3A_880 : vector<16xf32>
    %add3A_882 = arith.constant 1.000000e+00 : f32
    %add3A_883 = vector.broadcast %add3A_882 : f32 to vector<16xf32>
    %add3A_884 = arith.addf %add3A_883, %exp3A_881 : vector<16xf32>
    %div3A_885 = arith.constant 1.000000e+00 : f32
    %div3A_886 = vector.broadcast %div3A_885 : f32 to vector<16xf32>
    %div3A_887 = arith.divf %div3A_886, %add3A_884 : vector<16xf32>
    %swap3A_888 = arith.constant 384 : index
    %swap3A_889 = tpu.vector_load %arg13[%swap3A_888] {strides = array<i32>} : memref<512xf32, #tpu.memory_space<vmem>>, vector<16xf32>,
    %swap3A_890 = vector.shape_cast %swap3A_889 : vector<16xf32> to vector<16xf32>
    %swap3A_891 = vector.shape_cast %div3A_887 : vector<16xf32> to vector<16xf32>
    tpu.vector_store %arg13[%swap3A_888], %swap3A_891 {strides = array<i32>} : memref<512xf32, #tpu.memory_space<vmem>>, vector<16xf32>,
    %get3A_892 = arith.constant 400 : index
    %get3A_893 = tpu.vector_load %arg11[%get3A_892] {strides = array<i32>} : memref<512xf32, #tpu.memory_space<vmem>>, vector<16xf32>,
    %get3A_894 = vector.shape_cast %get3A_893 : vector<16xf32> to vector<16xf32>
    %get3A_895 = arith.constant 400 : index
    %get3A_896 = tpu.vector_load %arg10[%get3A_895] {strides = array<i32>} : memref<512xf32, #tpu.memory_space<vmem>>, vector<16xf32>,
    %get3A_897 = vector.shape_cast %get3A_896 : vector<16xf32> to vector<16xf32>
    %get3A_898 = arith.constant 400 : index
    %get3A_899 = tpu.vector_load %arg12[%get3A_898] {strides = array<i32>} : memref<512xf32, #tpu.memory_space<vmem>>, vector<16xf32>,
    %get3A_900 = vector.shape_cast %get3A_899 : vector<16xf32> to vector<16xf32>
    %sub3A_901 = arith.subf %get3A_897, %get3A_900 : vector<16xf32>
    %mul3A_902 = arith.mulf %get3A_894, %sub3A_901 : vector<16xf32>
    %neg3A_903 = arith.constant 0.000000e+00 : f32
    %neg3A_904 = vector.broadcast %neg3A_903 : f32 to vector<16xf32>
    %neg3A_905 = arith.subf %neg3A_904, %mul3A_902 : vector<16xf32>
    %exp3A_906 = math.exp %neg3A_905 : vector<16xf32>
    %add3A_907 = arith.constant 1.000000e+00 : f32
    %add3A_908 = vector.broadcast %add3A_907 : f32 to vector<16xf32>
    %add3A_909 = arith.addf %add3A_908, %exp3A_906 : vector<16xf32>
    %div3A_910 = arith.constant 1.000000e+00 : f32
    %div3A_911 = vector.broadcast %div3A_910 : f32 to vector<16xf32>
    %div3A_912 = arith.divf %div3A_911, %add3A_909 : vector<16xf32>
    %swap3A_913 = arith.constant 400 : index
    %swap3A_914 = tpu.vector_load %arg13[%swap3A_913] {strides = array<i32>} : memref<512xf32, #tpu.memory_space<vmem>>, vector<16xf32>,
    %swap3A_915 = vector.shape_cast %swap3A_914 : vector<16xf32> to vector<16xf32>
    %swap3A_916 = vector.shape_cast %div3A_912 : vector<16xf32> to vector<16xf32>
    tpu.vector_store %arg13[%swap3A_913], %swap3A_916 {strides = array<i32>} : memref<512xf32, #tpu.memory_space<vmem>>, vector<16xf32>,
    %get3A_917 = arith.constant 416 : index
    %get3A_918 = tpu.vector_load %arg11[%get3A_917] {strides = array<i32>} : memref<512xf32, #tpu.memory_space<vmem>>, vector<16xf32>,
    %get3A_919 = vector.shape_cast %get3A_918 : vector<16xf32> to vector<16xf32>
    %get3A_920 = arith.constant 416 : index
    %get3A_921 = tpu.vector_load %arg10[%get3A_920] {strides = array<i32>} : memref<512xf32, #tpu.memory_space<vmem>>, vector<16xf32>,
    %get3A_922 = vector.shape_cast %get3A_921 : vector<16xf32> to vector<16xf32>
    %get3A_923 = arith.constant 416 : index
    %get3A_924 = tpu.vector_load %arg12[%get3A_923] {strides = array<i32>} : memref<512xf32, #tpu.memory_space<vmem>>, vector<16xf32>,
    %get3A_925 = vector.shape_cast %get3A_924 : vector<16xf32> to vector<16xf32>
    %sub3A_926 = arith.subf %get3A_922, %get3A_925 : vector<16xf32>
    %mul3A_927 = arith.mulf %get3A_919, %sub3A_926 : vector<16xf32>
    %neg3A_928 = arith.constant 0.000000e+00 : f32
    %neg3A_929 = vector.broadcast %neg3A_928 : f32 to vector<16xf32>
    %neg3A_930 = arith.subf %neg3A_929, %mul3A_927 : vector<16xf32>
    %exp3A_931 = math.exp %neg3A_930 : vector<16xf32>
    %add3A_932 = arith.constant 1.000000e+00 : f32
    %add3A_933 = vector.broadcast %add3A_932 : f32 to vector<16xf32>
    %add3A_934 = arith.addf %add3A_933, %exp3A_931 : vector<16xf32>
    %div3A_935 = arith.constant 1.000000e+00 : f32
    %div3A_936 = vector.broadcast %div3A_935 : f32 to vector<16xf32>
    %div3A_937 = arith.divf %div3A_936, %add3A_934 : vector<16xf32>
    %swap3A_938 = arith.constant 416 : index
    %swap3A_939 = tpu.vector_load %arg13[%swap3A_938] {strides = array<i32>} : memref<512xf32, #tpu.memory_space<vmem>>, vector<16xf32>,
    %swap3A_940 = vector.shape_cast %swap3A_939 : vector<16xf32> to vector<16xf32>
    %swap3A_941 = vector.shape_cast %div3A_937 : vector<16xf32> to vector<16xf32>
    tpu.vector_store %arg13[%swap3A_938], %swap3A_941 {strides = array<i32>} : memref<512xf32, #tpu.memory_space<vmem>>, vector<16xf32>,
    %get3A_942 = arith.constant 432 : index
    %get3A_943 = tpu.vector_load %arg11[%get3A_942] {strides = array<i32>} : memref<512xf32, #tpu.memory_space<vmem>>, vector<16xf32>,
    %get3A_944 = vector.shape_cast %get3A_943 : vector<16xf32> to vector<16xf32>
    %get3A_945 = arith.constant 432 : index
    %get3A_946 = tpu.vector_load %arg10[%get3A_945] {strides = array<i32>} : memref<512xf32, #tpu.memory_space<vmem>>, vector<16xf32>,
    %get3A_947 = vector.shape_cast %get3A_946 : vector<16xf32> to vector<16xf32>
    %get3A_948 = arith.constant 432 : index
    %get3A_949 = tpu.vector_load %arg12[%get3A_948] {strides = array<i32>} : memref<512xf32, #tpu.memory_space<vmem>>, vector<16xf32>,
    %get3A_950 = vector.shape_cast %get3A_949 : vector<16xf32> to vector<16xf32>
    %sub3A_951 = arith.subf %get3A_947, %get3A_950 : vector<16xf32>
    %mul3A_952 = arith.mulf %get3A_944, %sub3A_951 : vector<16xf32>
    %neg3A_953 = arith.constant 0.000000e+00 : f32
    %neg3A_954 = vector.broadcast %neg3A_953 : f32 to vector<16xf32>
    %neg3A_955 = arith.subf %neg3A_954, %mul3A_952 : vector<16xf32>
    %exp3A_956 = math.exp %neg3A_955 : vector<16xf32>
    %add3A_957 = arith.constant 1.000000e+00 : f32
    %add3A_958 = vector.broadcast %add3A_957 : f32 to vector<16xf32>
    %add3A_959 = arith.addf %add3A_958, %exp3A_956 : vector<16xf32>
    %div3A_960 = arith.constant 1.000000e+00 : f32
    %div3A_961 = vector.broadcast %div3A_960 : f32 to vector<16xf32>
    %div3A_962 = arith.divf %div3A_961, %add3A_959 : vector<16xf32>
    %swap3A_963 = arith.constant 432 : index
    %swap3A_964 = tpu.vector_load %arg13[%swap3A_963] {strides = array<i32>} : memref<512xf32, #tpu.memory_space<vmem>>, vector<16xf32>,
    %swap3A_965 = vector.shape_cast %swap3A_964 : vector<16xf32> to vector<16xf32>
    %swap3A_966 = vector.shape_cast %div3A_962 : vector<16xf32> to vector<16xf32>
    tpu.vector_store %arg13[%swap3A_963], %swap3A_966 {strides = array<i32>} : memref<512xf32, #tpu.memory_space<vmem>>, vector<16xf32>,
    %get3A_967 = arith.constant 448 : index
    %get3A_968 = tpu.vector_load %arg11[%get3A_967] {strides = array<i32>} : memref<512xf32, #tpu.memory_space<vmem>>, vector<16xf32>,
    %get3A_969 = vector.shape_cast %get3A_968 : vector<16xf32> to vector<16xf32>
    %get3A_970 = arith.constant 448 : index
    %get3A_971 = tpu.vector_load %arg10[%get3A_970] {strides = array<i32>} : memref<512xf32, #tpu.memory_space<vmem>>, vector<16xf32>,
    %get3A_972 = vector.shape_cast %get3A_971 : vector<16xf32> to vector<16xf32>
    %get3A_973 = arith.constant 448 : index
    %get3A_974 = tpu.vector_load %arg12[%get3A_973] {strides = array<i32>} : memref<512xf32, #tpu.memory_space<vmem>>, vector<16xf32>,
    %get3A_975 = vector.shape_cast %get3A_974 : vector<16xf32> to vector<16xf32>
    %sub3A_976 = arith.subf %get3A_972, %get3A_975 : vector<16xf32>
    %mul3A_977 = arith.mulf %get3A_969, %sub3A_976 : vector<16xf32>
    %neg3A_978 = arith.constant 0.000000e+00 : f32
    %neg3A_979 = vector.broadcast %neg3A_978 : f32 to vector<16xf32>
    %neg3A_980 = arith.subf %neg3A_979, %mul3A_977 : vector<16xf32>
    %exp3A_981 = math.exp %neg3A_980 : vector<16xf32>
    %add3A_982 = arith.constant 1.000000e+00 : f32
    %add3A_983 = vector.broadcast %add3A_982 : f32 to vector<16xf32>
    %add3A_984 = arith.addf %add3A_983, %exp3A_981 : vector<16xf32>
    %div3A_985 = arith.constant 1.000000e+00 : f32
    %div3A_986 = vector.broadcast %div3A_985 : f32 to vector<16xf32>
    %div3A_987 = arith.divf %div3A_986, %add3A_984 : vector<16xf32>
    %swap3A_988 = arith.constant 448 : index
    %swap3A_989 = tpu.vector_load %arg13[%swap3A_988] {strides = array<i32>} : memref<512xf32, #tpu.memory_space<vmem>>, vector<16xf32>,
    %swap3A_990 = vector.shape_cast %swap3A_989 : vector<16xf32> to vector<16xf32>
    %swap3A_991 = vector.shape_cast %div3A_987 : vector<16xf32> to vector<16xf32>
    tpu.vector_store %arg13[%swap3A_988], %swap3A_991 {strides = array<i32>} : memref<512xf32, #tpu.memory_space<vmem>>, vector<16xf32>,
    %get3A_992 = arith.constant 464 : index
    %get3A_993 = tpu.vector_load %arg11[%get3A_992] {strides = array<i32>} : memref<512xf32, #tpu.memory_space<vmem>>, vector<16xf32>,
    %get3A_994 = vector.shape_cast %get3A_993 : vector<16xf32> to vector<16xf32>
    %get3A_995 = arith.constant 464 : index
    %get3A_996 = tpu.vector_load %arg10[%get3A_995] {strides = array<i32>} : memref<512xf32, #tpu.memory_space<vmem>>, vector<16xf32>,
    %get3A_997 = vector.shape_cast %get3A_996 : vector<16xf32> to vector<16xf32>
    %get3A_998 = arith.constant 464 : index
    %get3A_999 = tpu.vector_load %arg12[%get3A_998] {strides = array<i32>} : memref<512xf32, #tpu.memory_space<vmem>>, vector<16xf32>,
    %get3A_1000 = vector.shape_cast %get3A_999 : vector<16xf32> to vector<16xf32>
    %sub3A_1001 = arith.subf %get3A_997, %get3A_1000 : vector<16xf32>
    %mul3A_1002 = arith.mulf %get3A_994, %sub3A_1001 : vector<16xf32>
    %neg3A_1003 = arith.constant 0.000000e+00 : f32
    %neg3A_1004 = vector.broadcast %neg3A_1003 : f32 to vector<16xf32>
    %neg3A_1005 = arith.subf %neg3A_1004, %mul3A_1002 : vector<16xf32>
    %exp3A_1006 = math.exp %neg3A_1005 : vector<16xf32>
    %add3A_1007 = arith.constant 1.000000e+00 : f32
    %add3A_1008 = vector.broadcast %add3A_1007 : f32 to vector<16xf32>
    %add3A_1009 = arith.addf %add3A_1008, %exp3A_1006 : vector<16xf32>
    %div3A_1010 = arith.constant 1.000000e+00 : f32
    %div3A_1011 = vector.broadcast %div3A_1010 : f32 to vector<16xf32>
    %div3A_1012 = arith.divf %div3A_1011, %add3A_1009 : vector<16xf32>
    %swap3A_1013 = arith.constant 464 : index
    %swap3A_1014 = tpu.vector_load %arg13[%swap3A_1013] {strides = array<i32>} : memref<512xf32, #tpu.memory_space<vmem>>, vector<16xf32>,
    %swap3A_1015 = vector.shape_cast %swap3A_1014 : vector<16xf32> to vector<16xf32>
    %swap3A_1016 = vector.shape_cast %div3A_1012 : vector<16xf32> to vector<16xf32>
    tpu.vector_store %arg13[%swap3A_1013], %swap3A_1016 {strides = array<i32>} : memref<512xf32, #tpu.memory_space<vmem>>, vector<16xf32>,
    %get3A_1017 = arith.constant 480 : index
    %get3A_1018 = tpu.vector_load %arg11[%get3A_1017] {strides = array<i32>} : memref<512xf32, #tpu.memory_space<vmem>>, vector<16xf32>,
    %get3A_1019 = vector.shape_cast %get3A_1018 : vector<16xf32> to vector<16xf32>
    %get3A_1020 = arith.constant 480 : index
    %get3A_1021 = tpu.vector_load %arg10[%get3A_1020] {strides = array<i32>} : memref<512xf32, #tpu.memory_space<vmem>>, vector<16xf32>,
    %get3A_1022 = vector.shape_cast %get3A_1021 : vector<16xf32> to vector<16xf32>
    %get3A_1023 = arith.constant 480 : index
    %get3A_1024 = tpu.vector_load %arg12[%get3A_1023] {strides = array<i32>} : memref<512xf32, #tpu.memory_space<vmem>>, vector<16xf32>,
    %get3A_1025 = vector.shape_cast %get3A_1024 : vector<16xf32> to vector<16xf32>
    %sub3A_1026 = arith.subf %get3A_1022, %get3A_1025 : vector<16xf32>
    %mul3A_1027 = arith.mulf %get3A_1019, %sub3A_1026 : vector<16xf32>
    %neg3A_1028 = arith.constant 0.000000e+00 : f32
    %neg3A_1029 = vector.broadcast %neg3A_1028 : f32 to vector<16xf32>
    %neg3A_1030 = arith.subf %neg3A_1029, %mul3A_1027 : vector<16xf32>
    %exp3A_1031 = math.exp %neg3A_1030 : vector<16xf32>
    %add3A_1032 = arith.constant 1.000000e+00 : f32
    %add3A_1033 = vector.broadcast %add3A_1032 : f32 to vector<16xf32>
    %add3A_1034 = arith.addf %add3A_1033, %exp3A_1031 : vector<16xf32>
    %div3A_1035 = arith.constant 1.000000e+00 : f32
    %div3A_1036 = vector.broadcast %div3A_1035 : f32 to vector<16xf32>
    %div3A_1037 = arith.divf %div3A_1036, %add3A_1034 : vector<16xf32>
    %swap3A_1038 = arith.constant 480 : index
    %swap3A_1039 = tpu.vector_load %arg13[%swap3A_1038] {strides = array<i32>} : memref<512xf32, #tpu.memory_space<vmem>>, vector<16xf32>,
    %swap3A_1040 = vector.shape_cast %swap3A_1039 : vector<16xf32> to vector<16xf32>
    %swap3A_1041 = vector.shape_cast %div3A_1037 : vector<16xf32> to vector<16xf32>
    tpu.vector_store %arg13[%swap3A_1038], %swap3A_1041 {strides = array<i32>} : memref<512xf32, #tpu.memory_space<vmem>>, vector<16xf32>,
    %get3A_1042 = arith.constant 496 : index
    %get3A_1043 = tpu.vector_load %arg11[%get3A_1042] {strides = array<i32>} : memref<512xf32, #tpu.memory_space<vmem>>, vector<16xf32>,
    %get3A_1044 = vector.shape_cast %get3A_1043 : vector<16xf32> to vector<16xf32>
    %get3A_1045 = arith.constant 496 : index
    %get3A_1046 = tpu.vector_load %arg10[%get3A_1045] {strides = array<i32>} : memref<512xf32, #tpu.memory_space<vmem>>, vector<16xf32>,
    %get3A_1047 = vector.shape_cast %get3A_1046 : vector<16xf32> to vector<16xf32>
    %get3A_1048 = arith.constant 496 : index
    %get3A_1049 = tpu.vector_load %arg12[%get3A_1048] {strides = array<i32>} : memref<512xf32, #tpu.memory_space<vmem>>, vector<16xf32>,
    %get3A_1050 = vector.shape_cast %get3A_1049 : vector<16xf32> to vector<16xf32>
    %sub3A_1051 = arith.subf %get3A_1047, %get3A_1050 : vector<16xf32>
    %mul3A_1052 = arith.mulf %get3A_1044, %sub3A_1051 : vector<16xf32>
    %neg3A_1053 = arith.constant 0.000000e+00 : f32
    %neg3A_1054 = vector.broadcast %neg3A_1053 : f32 to vector<16xf32>
    %neg3A_1055 = arith.subf %neg3A_1054, %mul3A_1052 : vector<16xf32>
    %exp3A_1056 = math.exp %neg3A_1055 : vector<16xf32>
    %add3A_1057 = arith.constant 1.000000e+00 : f32
    %add3A_1058 = vector.broadcast %add3A_1057 : f32 to vector<16xf32>
    %add3A_1059 = arith.addf %add3A_1058, %exp3A_1056 : vector<16xf32>
    %div3A_1060 = arith.constant 1.000000e+00 : f32
    %div3A_1061 = vector.broadcast %div3A_1060 : f32 to vector<16xf32>
    %div3A_1062 = arith.divf %div3A_1061, %add3A_1059 : vector<16xf32>
    %swap3A_1063 = arith.constant 496 : index
    %swap3A_1064 = tpu.vector_load %arg13[%swap3A_1063] {strides = array<i32>} : memref<512xf32, #tpu.memory_space<vmem>>, vector<16xf32>,
    %swap3A_1065 = vector.shape_cast %swap3A_1064 : vector<16xf32> to vector<16xf32>
    %swap3A_1066 = vector.shape_cast %div3A_1062 : vector<16xf32> to vector<16xf32>
    tpu.vector_store %arg13[%swap3A_1063], %swap3A_1066 {strides = array<i32>} : memref<512xf32, #tpu.memory_space<vmem>>, vector<16xf32>,
    %add3A_1067 = arith.constant 384 : i32
    %add3A_1068 = arith.addi %mul3A_2, %add3A_1067 : i32
    %dma_start3A_1069 = arith.constant 384 : i32
    %dma_start3A_1070 = tpu.memref_slice %arg13[%dma_start3A_1069] : memref<512xf32, #tpu.memory_space<vmem>> -> memref<128xf32, #tpu.memory_space<vmem>>
    %dma_start3A_1071 = tpu.memref_slice %arg7[%add3A_1068] : memref<16384xf32, #tpu.memory_space<hbm>> -> memref<128xf32, #tpu.memory_space<hbm>>
    %dma_start3A_1072 = tpu.memref_slice %arg7[%add3A_1068] : memref<16384xf32, #tpu.memory_space<hbm>> -> memref<128xf32, #tpu.memory_space<hbm>>
    %dma_start3A_1073 = arith.constant 384 : i32
    %dma_start3A_1074 = tpu.memref_slice %arg13[%dma_start3A_1073] : memref<512xf32, #tpu.memory_space<vmem>> -> memref<128xf32, #tpu.memory_space<vmem>>
    tpu.enqueue_dma source(%dma_start3A_1074 : memref<128xf32, #tpu.memory_space<vmem>>) target(%dma_start3A_1072 : memref<128xf32, #tpu.memory_space<hbm>>) target_semaphore(%arg16 : memref<!tpu.dma_semaphore, #tpu.memory_space<semaphore_mem>>)
    %dma_wait3A_1075 = arith.constant 0 : i32
    %dma_wait3A_1076 = tpu.memref_slice %arg13[%dma_wait3A_1075] : memref<512xf32, #tpu.memory_space<vmem>> -> memref<128xf32, #tpu.memory_space<vmem>>
    %dma_wait3A_1077 = tpu.memref_slice %arg7[%add3A_354] : memref<16384xf32, #tpu.memory_space<hbm>> -> memref<128xf32, #tpu.memory_space<hbm>>
    %dma_wait3A_1078 = tpu.memref_slice %arg7[%add3A_354] : memref<16384xf32, #tpu.memory_space<hbm>> -> memref<128xf32, #tpu.memory_space<hbm>>
    %dma_wait3A_1079 = arith.constant 0 : i32
    %dma_wait3A_1080 = tpu.memref_slice %arg13[%dma_wait3A_1079] : memref<512xf32, #tpu.memory_space<vmem>> -> memref<128xf32, #tpu.memory_space<vmem>>
    tpu.wait_dma2 semaphore(%arg16 : memref<!tpu.dma_semaphore, #tpu.memory_space<semaphore_mem>>) src(%dma_wait3A_1080 : memref<128xf32, #tpu.memory_space<vmem>>) dst(%dma_wait3A_1078 : memref<128xf32, #tpu.memory_space<hbm>>)
    %dma_wait3A_1081 = arith.constant 128 : i32
    %dma_wait3A_1082 = tpu.memref_slice %arg13[%dma_wait3A_1081] : memref<512xf32, #tpu.memory_space<vmem>> -> memref<128xf32, #tpu.memory_space<vmem>>
    %dma_wait3A_1083 = tpu.memref_slice %arg7[%add3A_592] : memref<16384xf32, #tpu.memory_space<hbm>> -> memref<128xf32, #tpu.memory_space<hbm>>
    %dma_wait3A_1084 = tpu.memref_slice %arg7[%add3A_592] : memref<16384xf32, #tpu.memory_space<hbm>> -> memref<128xf32, #tpu.memory_space<hbm>>
    %dma_wait3A_1085 = arith.constant 128 : i32
    %dma_wait3A_1086 = tpu.memref_slice %arg13[%dma_wait3A_1085] : memref<512xf32, #tpu.memory_space<vmem>> -> memref<128xf32, #tpu.memory_space<vmem>>
    tpu.wait_dma2 semaphore(%arg16 : memref<!tpu.dma_semaphore, #tpu.memory_space<semaphore_mem>>) src(%dma_wait3A_1086 : memref<128xf32, #tpu.memory_space<vmem>>) dst(%dma_wait3A_1084 : memref<128xf32, #tpu.memory_space<hbm>>)
    %dma_wait3A_1087 = arith.constant 256 : i32
    %dma_wait3A_1088 = tpu.memref_slice %arg13[%dma_wait3A_1087] : memref<512xf32, #tpu.memory_space<vmem>> -> memref<128xf32, #tpu.memory_space<vmem>>
    %dma_wait3A_1089 = tpu.memref_slice %arg7[%add3A_830] : memref<16384xf32, #tpu.memory_space<hbm>> -> memref<128xf32, #tpu.memory_space<hbm>>
    %dma_wait3A_1090 = tpu.memref_slice %arg7[%add3A_830] : memref<16384xf32, #tpu.memory_space<hbm>> -> memref<128xf32, #tpu.memory_space<hbm>>
    %dma_wait3A_1091 = arith.constant 256 : i32
    %dma_wait3A_1092 = tpu.memref_slice %arg13[%dma_wait3A_1091] : memref<512xf32, #tpu.memory_space<vmem>> -> memref<128xf32, #tpu.memory_space<vmem>>
    tpu.wait_dma2 semaphore(%arg16 : memref<!tpu.dma_semaphore, #tpu.memory_space<semaphore_mem>>) src(%dma_wait3A_1092 : memref<128xf32, #tpu.memory_space<vmem>>) dst(%dma_wait3A_1090 : memref<128xf32, #tpu.memory_space<hbm>>)
    %dma_wait3A_1093 = arith.constant 384 : i32
    %dma_wait3A_1094 = tpu.memref_slice %arg13[%dma_wait3A_1093] : memref<512xf32, #tpu.memory_space<vmem>> -> memref<128xf32, #tpu.memory_space<vmem>>
    %dma_wait3A_1095 = tpu.memref_slice %arg7[%add3A_1068] : memref<16384xf32, #tpu.memory_space<hbm>> -> memref<128xf32, #tpu.memory_space<hbm>>
    %dma_wait3A_1096 = tpu.memref_slice %arg7[%add3A_1068] : memref<16384xf32, #tpu.memory_space<hbm>> -> memref<128xf32, #tpu.memory_space<hbm>>
    %dma_wait3A_1097 = arith.constant 384 : i32
    %dma_wait3A_1098 = tpu.memref_slice %arg13[%dma_wait3A_1097] : memref<512xf32, #tpu.memory_space<vmem>> -> memref<128xf32, #tpu.memory_space<vmem>>
    tpu.wait_dma2 semaphore(%arg16 : memref<!tpu.dma_semaphore, #tpu.memory_space<semaphore_mem>>) src(%dma_wait3A_1098 : memref<128xf32, #tpu.memory_space<vmem>>) dst(%dma_wait3A_1096 : memref<128xf32, #tpu.memory_space<hbm>>)
    return
  }
}

</mosaic_0001>

<sc_bundles>
// kernel: kernel.3.cloned.1.call-start
scs
__scs_entry_jumppad:
0x0: {  	(pc) =	sbr.rel $0x88, $3  }
0x1: {  	(tag) =	ssettag $0x0;
	lr =	simm.s32 $0x1  }
0x2: {  	[smem:$0x3F9C] =	sst lr;
	_ =	strace $0xD0000000  }
0x3: {  	_ = 	snop  }
0x4: {  	_ = 	snop  }
0x5: {  	_ = 	snop  }
0x6: {  	_ = 	snop  }
0x7: {  	_ = 	snop  }
__scs_overlays_trampoline_lowered:
0x8: {  	[smem:$0x3FAB] =	sst s0  }
0x9: {  	[smem:$0x3FAC] =	sst s1  }
0xa: {  	[smem:$0x3FAD] =	sst s2  }
0xb: {  	[smem:$0x3FAE] =	sst s3  }
0xc: {  	[smem:$0x3FAF] =	sst s4  }
0xd: {  	[smem:$0x3FB0] =	sst s5  }
0xe: {  	[smem:$0x3FB1] =	sst s6  }
0xf: {  	[smem:$0x3FB2] =	sst s7  }
0x10: {  	[smem:$0x3FB3] =	sst s8  }
0x11: {  	[smem:$0x3FB4] =	sst s9;
	s0 =	simm.s32 @!p0 $0x0  }
0x12: {  	s1 =	sld [smem:$0x3F9A];
	s0 =	simm.s32 @p0 $0x1  }
0x13: {  	[smem:$0x3FB5] =	sst s0;
	s0 =	simm.s32 @!p1 $0x0  }
0x14: {  	s2 =	sld [smem:$0x3F99];
	s0 =	simm.s32 @p1 $0x1  }
0x15: {  	[smem:$0x3FB6] =	sst s0;
	s0 =	simm.s32 @!p2 $0x0  }
0x16: {  	s3 =	sld [smem:$0x3FDB];
	s0 =	simm.s32 @p2 $0x1  }
0x17: {  	s4 =	simm.s32 $0x1BF5;
	[smem:$0x3FB8] =	sst s0  }
0x18: {  	s0 =	sld [smem:$0x3F9B];
	_ =	swait.ge [sflag:s4], $0x0  }
0x19: {  	s7 =	sld [smem:$0x3F9C]  }
0x1a: {  	s8 =	sadd.s32 $0xFFFFE003, lr  }
0x1b: {  	s9 =	sadd.s32 $0xFFFFFEF7, lr;
	s5 =	simm.s32 $0xFFFFFFFF;
	p2 =	slt.u32 s8, $0xFFFFF086  }
0x1c: {  	p1 =	slt.u32 s9, $0xF7A;
	s5 =	simm.s32 @!p2 $0x0  }
0x1d: {  	s5 =	simm.s32 @p1 $0x1;
	p0 =	seq.s32 s7, s2  }
0x1e: {  	s7 =	smul.u32 @!p0 $0xF7A, s2;
	p2 =	seq.s32 @!p0 s5, $0x0  }
0x1f: {  	s9 =	smul.u32 $0xF7A, s1;
	s8 =	simm.s32 @!p0 $0x1BF5;
	p2 =	por !p2, p0  }
0x20: {  	[sflag:s8] =	ssyncset.s32 @!p0 $0xFFFFF086;
	s6 =	sadd.s32 @!p0 s3, s7;
	s7 =	simm.s32 @!p0 $0x108  }
0x21: {  	s3 =	sadd.s32 s3, s9;
	s6 =	sadd.s32 @!p0 $0x88, s6;
	s7 =	simm.s32 @p2 $0x1082  }
0x22: {  	[simem:s7], [sflag:s8] =	dma.local @!p0 [hbm:s6], $0xF7A  }
0x23: {  	s9 =	sor.u32 $0xD0000000, s2;
	s6 =	simm.s32 $0x108;
	_ =	swait.ge @!p0 [sflag:s8], $0x0  }
0x24: {  	s3 =	sadd.s32 $0x88, s3;
	s6 =	simm.s32 @!p1 $0x1082;
	[sflag:s4] =	ssyncset.s32 $0xFFFFF086  }
0x25: {  	[simem:s6], [sflag:s4] =	dma.local [hbm:s3], $0xF7A  }
0x26: {  	[smem:$0x3F9C] =	sst s1;
	(tag) =	ssettag s2;
	_ =	strace s9  }
0x27: {  	s1 =	sld [smem:$0x3FAC]  }
0x28: {  	s2 =	sld [smem:$0x3FAD]  }
0x29: {  	s4 =	sld [smem:$0x3FAF]  }
0x2a: {  	p0 =	seq.s32 s5, $0x0;
	s5 =	sld [smem:$0x3FB0]  }
0x2b: {  	s6 =	sld [smem:$0x3FB1]  }
0x2c: {  	s7 =	sld [smem:$0x3FB2]  }
0x2d: {  	s3 =	simm.s32 $0x108;
	s8 =	sld [smem:$0x3FB3]  }
0x2e: {  	s3 =	simm.s32 @!p0 $0x1082;
	s9 =	sld [smem:$0x3FB4]  }
0x2f: {  	lr =	sadd.s32 s0, s3;
	s0 =	sld [smem:$0x3FAB]  }
0x30: {  	s3 =	sld [smem:$0x3FAE]  }
0x31: {  	[smem:$0x3FB7] =	sst s10  }
0x32: {  	s10 =	sld [smem:$0x3FB5];
	_ =	sdelay $0x3  }
0x33: {  	p0 =	seq.s32 s10, $0x1;
	s10 =	sld [smem:$0x3FB7];
	_ =	sdelay $0x3  }
0x34: {  	[smem:$0x3FB7] =	sst s10  }
0x35: {  	s10 =	sld [smem:$0x3FB6];
	_ =	sdelay $0x3  }
0x36: {  	p1 =	seq.s32 s10, $0x1;
	s10 =	sld [smem:$0x3FB7];
	_ =	sdelay $0x3  }
0x37: {  	[smem:$0x3FB7] =	sst s10  }
0x38: {  	s10 =	sld [smem:$0x3FB8]  }
0x39: {  	_ = 	snop;
	(pc) =	sbr.ind lr, $3  }
0x3a: {  	_ = 	snop  }
0x3b: {  	_ = 	snop  }
0x3c: {  	p2 =	seq.s32 s10, $0x1;
	s10 =	sld [smem:$0x3FB7]  }
0x3d: {  	_ =	shalt  }
0x3e: {  	_ =	shalt  }
0x3f: {  	_ =	shalt  }
0x40: {  	_ =	shalt  }
0x41: {  	_ =	shalt  }
0x42: {  	_ =	shalt  }
0x43: {  	_ =	shalt  }
0x44: {  	_ =	shalt  }
0x45: {  	_ =	shalt  }
0x46: {  	_ =	shalt  }
0x47: {  	_ =	shalt  }
0x48: {  	_ =	shalt  }
0x49: {  	_ =	shalt  }
0x4a: {  	_ =	shalt  }
0x4b: {  	_ =	shalt  }
0x4c: {  	_ =	shalt  }
0x4d: {  	_ =	shalt  }
0x4e: {  	_ =	shalt  }
0x4f: {  	_ =	shalt  }
0x50: {  	_ =	shalt  }
0x51: {  	_ =	shalt  }
0x52: {  	_ =	shalt  }
0x53: {  	_ =	shalt  }
0x54: {  	_ =	shalt  }
0x55: {  	_ =	shalt  }
0x56: {  	_ =	shalt  }
0x57: {  	_ =	shalt  }
0x58: {  	_ =	shalt  }
0x59: {  	_ =	shalt  }
0x5a: {  	_ =	shalt  }
0x5b: {  	_ =	shalt  }
0x5c: {  	_ =	shalt  }
0x5d: {  	_ =	shalt  }
0x5e: {  	_ =	shalt  }
0x5f: {  	_ =	shalt  }
0x60: {  	_ =	shalt  }
0x61: {  	_ =	shalt  }
0x62: {  	_ =	shalt  }
0x63: {  	_ =	shalt  }
0x64: {  	_ =	shalt  }
0x65: {  	_ =	shalt  }
0x66: {  	_ =	shalt  }
0x67: {  	_ =	shalt  }
0x68: {  	_ =	shalt  }
0x69: {  	_ =	shalt  }
0x6a: {  	_ =	shalt  }
0x6b: {  	_ =	shalt  }
0x6c: {  	_ =	shalt  }
0x6d: {  	_ =	shalt  }
0x6e: {  	_ =	shalt  }
0x6f: {  	_ =	shalt  }
0x70: {  	_ =	shalt  }
0x71: {  	_ =	shalt  }
0x72: {  	_ =	shalt  }
0x73: {  	_ =	shalt  }
0x74: {  	_ =	shalt  }
0x75: {  	_ =	shalt  }
0x76: {  	_ =	shalt  }
0x77: {  	_ =	shalt  }
0x78: {  	_ =	shalt  }
0x79: {  	_ =	shalt  }
0x7a: {  	_ =	shalt  }
0x7b: {  	_ =	shalt  }
0x7c: {  	_ =	shalt  }
0x7d: {  	_ =	shalt  }
0x7e: {  	_ =	shalt  }
0x7f: {  	_ =	shalt  }
0x80: {  	_ =	shalt  }
0x81: {  	_ =	shalt  }
0x82: {  	_ =	shalt  }
0x83: {  	_ =	shalt  }
0x84: {  	_ =	shalt  }
0x85: {  	_ =	shalt  }
0x86: {  	_ =	shalt  }
0x87: {  	_ =	shalt  }
.Lfunc_end0:
.L_simem_size_0:
called_computation_lowered:
.L_overlay_start_0:
0x88: {  	s2 =	sld [smem:$0x3FD9]  }
0x89: {  	s3 =	sld [smem:$0x3FFE];
	_ =	sdelay $0x1  }
0x8a: {  	s1 =	srdreg.scid  }
0x8b: {  	s0 =	sand.u32 $0x1, s1  }
0x8c: {  	s18 =	sshll.u32 s0, $0xA;
	s2 =	sadd.s32 s3, s2  }
0x8d: {  	s2 =	sadd.s32 s2, s18  }
0x8e: {  	[smem:$0x3FC3] =	sst s2  }
0x8f: {  	_ = 	snop  }
0x90: {  	s2 =	sld [smem:$0x3FC9]  }
0x91: {  	s19 =	sld [smem:$0x3FC8]  }
0x92: {  	s4 =	sld [smem:$0x3FC7]  }
0x93: {  	s5 =	sld [smem:$0x3FC6]  }
0x94: {  	s6 =	sld [smem:$0x3FC5]  }
0x95: {  	s7 =	sld [smem:$0x3FD0];
	(tm) =	ssettm $0x1  }
0x96: {  	s8 =	sld [smem:$0x3FFB];
	_ =	sdelay $0x3  }
0x97: {  	_ =	strace s8  }
0x98: {  	s8 =	sld [smem:$0x3FFC];
	_ =	sdelay $0x3  }
0x99: {  	_ =	strace s8  }
0x9a: {  	s8 =	sld [smem:$0x3FFD];
	_ =	sdelay $0x3  }
0x9b: {  	_ =	strace s8  }
0x9c: {  	_ =	strace $0x8FFFFFFF  }
0x9d: {  	s20 =	sld [smem:$0x3FDB];
	_ =	sdelay $0x1  }
0x9e: {  	s9 =	simm.s32 $_scs_section_size  }
0x9f: {  	s10 =	simm.s32 $_size__tile_overlayer_lowered;
	s11 =	simm.s32 $_tile_overlayer_lowered  }
0xa0: {  	s23 =	simm.s32 $0x1BFF;
	s22 =	sshll.u32 s11, $0x1;
	s8 =	sadd.s32 s9, s20  }
0xa1: {  	s12 =	simm.s32 $0x0;
	s21 =	sshll.u32 s10, $0x1;
	s10 =	sadd.s32 s22, s8  }
0xa2: {  	[timem:s12], [sflag:s23] =	dma.local [hbm:s10], s21  }
0xa3: {  	_ =	swait.ge [sflag:s23], s21  }
0xa4: {  	s9 =	ssub.s32 $0x0, s21;
	[sflag:s23] =	ssyncset.done $0x0  }
0xa5: {  	[sflag:s23] =	ssyncadd.s32 s9;
	_ =	sdelay $0x1  }
0xa6: {  	s24 =	simm.s32 $0x1B8B  }
0xa7: {  	_ =	swait.ge [sflag:s24], $0x1  }
0xa8: {  	[sflag:s24] =	ssyncset.done $0x0  }
0xa9: {  	s25 =	simm.s32 $0x1B8E;
	[sflag:s24] =	ssyncadd.s32 $0xFFFFFFFF  }
0xaa: {  	s26 =	simm.s32 $execute0_lowered;
	[smem:$0x3FD2] =	sst s25  }
0xab: {  	s9 =	sshll.u32 s26, $0x1;
	_ =	strace $0x80000046;
	[dreg:$0x1] =	wrdreg $0xFFFFFFFF  }
0xac: {  	s28 =	simm.s32 $_size_execute0_lowered;
	s8 =	sadd.s32 s8, s9;
	[dreg:$0x0] =	wrdreg $0x0  }
0xad: {  	s9 =	sshll.u32 s28, $0x1;
	[dreg:$0x2] =	wrdreg s8  }
0xae: {  	[dreg:$0x3] =	wrdreg s9  }
0xaf: {  	[dreg:$0x4] =	wrdreg $0xC0  }
0xb0: {  	_ =	task [dreg:s12], $0x5FFFF  }
0xb1: {  	[dreg:$0x1] =	wrdreg $0xFFFFFFFF  }
0xb2: {  	[dreg:$0x0] =	wrdreg $0x60  }
0xb3: {  	[dreg:$0x2] =	wrdreg s2  }
0xb4: {  	[dreg:$0x3] =	wrdreg s19  }
0xb5: {  	[dreg:$0x4] =	wrdreg s4  }
0xb6: {  	[dreg:$0x5] =	wrdreg s5  }
0xb7: {  	[dreg:$0x6] =	wrdreg s6  }
0xb8: {  	[dreg:$0x7] =	wrdreg s7  }
0xb9: {  	[dreg:$0x8] =	wrdreg $0x9  }
0xba: {  	_ =	task.clear_ibuf [dreg:s12], $0x9FFFF;
	_ =	strace $0x90000046  }
0xbb: {  	s29 =	simm.s32 $0x9;
	_ =	strace $0x80000048  }
0xbc: {  	_ =	swait.ge [sflag:s29], $0x1  }
0xbd: {  	[sflag:s29] =	ssyncadd.s32 $0xFFFFFFFF  }
0xbe: {  	_ =	strace $0x90000048  }
0xbf: {  	_ =	sfence  }
0xc0: {  	s30 =	sld [smem:$0x0];
	_ =	sdelay $0x2  }
0xc1: {  	s31 =	sshll.u32 s1, $0xD;
	s1 =	sshrl.u32 s1, $0x2  }
0xc2: {  	s3 =	sand.u32 $0x4000, s31;
	s1 =	sadd.s32 s1, s30  }
0xc3: {  	s0 =	sor.u32 s3, s0;
	s1 =	sshll.u32 s1, $0x11  }
0xc4: {  	s0 =	sor.u32 s1, s0  }
0xc5: {  	s0 =	sadd.s32 $0x8F2B, s0  }
0xc6: {  	[sflag:s0] =	ssyncadd.remote.s32 $0x1  }
0xc7: {  	_ =	sfence.sel $0xFFFF  }
0xc8: {  	[dreg:$0x0] =	wrdreg $0xFFFFFFFF;
	(pc) =	sbr.abs _section_cstart, $3  }
0xc9: {  	[dreg:$0x1] =	wrdreg $0xFFFFFFFF  }
0xca: {  	_ =	task.clear_ibuf [dreg:s12], $0x2FFFF;
	_ =	strace $0x9FFFFFFF  }
0xcb: {  	(tm) =	ssettm $0x7FFFFFFF  }
tec
execute0_lowered:
.L_overlay_start_1:
0x0: {  	(tag) =	ssettag $0x1  }
0x1: {  	s0 =	rddreg [dreg:$0x0]  }
0x2: {  	s6 =	rddreg [dreg:$0x1]  }
0x3: {  	s1 =	rddreg [dreg:$0x2]  }
0x4: {  	s2 =	rddreg [dreg:$0x3]  }
0x5: {  	s4 =	rddreg [dreg:$0x4]  }
0x6: {  	s7 =	rddreg [dreg:$0x5]  }
0x7: {  	s5 =	srdreg.scid;
	s3 =	stileid.u32;
	s25 =	simm.s32 $0x400  }
0x8: {  	s26 =	simm.s32 $0x600;
	s12 =	simm.s32 $0x480;
	s13 =	simm.s32 $0x280  }
0x9: {  	s14 =	simm.s32 $0x680;
	s15 =	simm.s32 $0x880;
	s16 =	simm.s32 $0x100  }
0xa: {  	s17 =	simm.s32 $0x500;
	s18 =	simm.s32 $0x300;
	s19 =	simm.s32 $0x700  }
0xb: {  	s28 =	simm.s32 $0xA00;
	s29 =	simm.s32 $0xA80;
	s30 =	simm.s32 $0xB00  }
0xc: {  	s31 =	simm.s32 $0xB80;
	s8 =	sand.u32 $0x1, s5;
	s5 =	simm.s32 $0x0  }
0xd: {  	s9 =	sshll.u32 s3, $0x7;
	s10 =	sshll.u32 s8, $0x6;
	[smem:$0x7FF] =	sst s5  }
0xe: {  	s21 =	ssub.s32 $0x2, s8;
	s9 =	sor.u32 s10, s9;
	_ =	strace $0x80000047  }
0xf: {  	s8 =	sshrl.u32 s21, $0x1;
	[dreg:$0xc] =	wrdreg s25;
	s10 =	simm.s32 $0x80  }
0x10: {  	[dreg:$0xd] =	wrdreg s26;
	s25 =	simm.s32 $0x980;
	s26 =	simm.s32 $0x1  }
0x11: {  	s0 =	sadd.s32 s0, s9;
	s20 =	sadd.s32 s6, s9;
	s6 =	sadd.s32 s7, s9  }
0x12: {  	s7 =	ssub.s32 s21, s8;
	s8 =	simm.s32 $0x200;
	[dreg:$0x7] =	wrdreg s0  }
0x13: {  	s9 =	simm.s32 $0x2;
	[dreg:$0x8] =	wrdreg s20;
	s22 =	sadd.s32 $0x10, s6  }
0x14: {  	s21 =	simm.s32 $0x180;
	s23 =	sadd.s32 $0x20, s6;
	[dreg:$0x9] =	wrdreg s22  }
0x15: {  	s24 =	sadd.s32 $0x30, s6;
	s7 =	smax.u32 s7, $0x1;
	[dreg:$0xa] =	wrdreg s23  }
0x16: {  	s20 =	simm.s32 $0x900;
	s0 =	simm.s32 $0x3;
	[dreg:$0xb] =	wrdreg s24  }
0x17: {  	s22 =	simm.s32 $0x580;
	s23 =	simm.s32 $0x380;
	s24 =	simm.s32 $0x780  }
.LBB2_1:
0x18: {  	s3 =	rddreg [dreg:$0x7]  }
0x19: {  	[tilespmem:s5], [sflag:$0x2] =	stream.linear.gather [hbm4b:s3+s5], $0x200, $0x38;
	[tilespmem:$0xC00] =	vst v63  }
0x1a: {  	s11 =	rddreg [dreg:$0x8]  }
0x1b: {  	[tilespmem:s8], [sflag:$0x2] =	stream.linear.gather [hbm4b:s11+s5], $0x200, $0x38;
	[tilespmem:$0xC00] =	vst v63  }
0x1c: {  	_ =	swait.ge [sflag:s9], $0x200  }
0x1d: {  	[sflag:s9] =	ssyncset.done $0x0  }
0x1e: {  	[sflag:s9] =	ssyncadd.s32 $0xFFFFFE00  }
0x1f: {  	_ =	swait.ge [sflag:s9], $0x200  }
0x20: {  	[sflag:s9] =	ssyncset.done $0x0  }
0x21: {  	s3 =	rddreg [dreg:$0xc];
	[sflag:s9] =	ssyncadd.s32 $0xFFFFFE00  }
0x22: {  	[tilespmem:s3], [sflag:$0x1] =	stream.indirect.gather [hbm4b:s1+s10], $0x1, s5, s10, $0xb8;
	[tilespmem:$0xC00] =	vst v63  }
0x23: {  	s11 =	rddreg [dreg:$0xd]  }
0x24: {  	[tilespmem:s11], [sflag:$0x1] =	stream.indirect.gather [hbm4b:s2+s10], $0x1, s8, s10, $0xb8;
	[tilespmem:$0xC00] =	vst v63  }
0x25: {  	s11 =	simm.s32 $0x800  }
0x26: {  	[tilespmem:s11], [sflag:$0x1] =	stream.indirect.gather [hbm4b:s4+s10], $0x1, s8, s10, $0xb8;
	[tilespmem:$0xC00] =	vst v63  }
0x27: {  	_ = 	snop  }
0x28: {  	[tilespmem:s12], [sflag:$0x1] =	stream.indirect.gather [hbm4b:s1+s10], $0x1, s10, s10, $0xb8;
	[tilespmem:$0xC00] =	vst v63  }
0x29: {  	_ = 	snop  }
0x2a: {  	[tilespmem:s14], [sflag:$0x1] =	stream.indirect.gather [hbm4b:s2+s10], $0x1, s13, s10, $0xb8;
	[tilespmem:$0xC00] =	vst v63  }
0x2b: {  	_ = 	snop  }
0x2c: {  	[tilespmem:s15], [sflag:$0x1] =	stream.indirect.gather [hbm4b:s4+s10], $0x1, s13, s10, $0xb8;
	[tilespmem:$0xC00] =	vst v63  }
0x2d: {  	_ = 	snop  }
0x2e: {  	[tilespmem:s17], [sflag:$0x1] =	stream.indirect.gather [hbm4b:s1+s10], $0x1, s16, s10, $0xb8;
	[tilespmem:$0xC00] =	vst v63  }
0x2f: {  	_ = 	snop  }
0x30: {  	[tilespmem:s19], [sflag:$0x1] =	stream.indirect.gather [hbm4b:s2+s10], $0x1, s18, s10, $0xb8;
	[tilespmem:$0xC00] =	vst v63  }
0x31: {  	_ = 	snop  }
0x32: {  	[tilespmem:s20], [sflag:$0x1] =	stream.indirect.gather [hbm4b:s4+s10], $0x1, s18, s10, $0xb8;
	[tilespmem:$0xC00] =	vst v63  }
0x33: {  	_ = 	snop  }
0x34: {  	[tilespmem:s22], [sflag:$0x1] =	stream.indirect.gather [hbm4b:s1+s10], $0x1, s21, s10, $0xb8;
	[tilespmem:$0xC00] =	vst v63  }
0x35: {  	_ = 	snop  }
0x36: {  	[tilespmem:s24], [sflag:$0x1] =	stream.indirect.gather [hbm4b:s2+s10], $0x1, s23, s10, $0xb8;
	[tilespmem:$0xC00] =	vst v63  }
0x37: {  	_ = 	snop  }
0x38: {  	[tilespmem:s25], [sflag:$0x1] =	stream.indirect.gather [hbm4b:s4+s10], $0x1, s23, s10, $0xb8;
	[tilespmem:$0xC00] =	vst v63  }
0x39: {  	_ =	swait.ge [sflag:s26], $0x80  }
0x3a: {  	[sflag:s26] =	ssyncset.done $0x0  }
0x3b: {  	[sflag:s26] =	ssyncadd.s32 $0xFFFFFF80  }
0x3c: {  	_ =	swait.ge [sflag:s26], $0x80  }
0x3d: {  	[sflag:s26] =	ssyncset.done $0x0  }
0x3e: {  	[sflag:s26] =	ssyncadd.s32 $0xFFFFFF80  }
0x3f: {  	_ =	swait.ge [sflag:s26], $0x80  }
0x40: {  	[sflag:s26] =	ssyncset.done $0x0  }
0x41: {  	[sflag:s26] =	ssyncadd.s32 $0xFFFFFF80  }
0x42: {  	v0 =	vld [tilespmem:$0x400]  }
0x43: {  	v1 =	vld [tilespmem:$0x800];
	_ =	sdelay $0x1  }
0x44: {  	v2 =	vld [tilespmem:$0x600];
	_ =	sdelay $0x2  }
0x45: {  	v0 =	vsub.f32 v0, v1;
	_ =	sdelay $0x1  }
0x46: {  	v0 =	vmul.f32 v0, v2;
	_ =	sdelay $0x1  }
0x47: {  	v0 =	vsub.f32 $0.0e+00, v0;
	_ =	sdelay $0x1  }
0x48: {  	v0 =	vmul.f32 $1.442695020e+00, v0  }
0x49: {  	v28 =	vld [tilespmem:$0x410]  }
0x4a: {  	v29 =	vld [tilespmem:$0x810];
	(erf) = vpow2.f32 v0;
	_ =	sdelay $0x1  }
0x4b: {  	v30 =	vld [tilespmem:$0x610];
	_ =	sdelay $0x2  }
0x4c: {  	v0 =	vsub.f32 v28, v29;
	_ =	sdelay $0x1  }
0x4d: {  	v0 =	vmul.f32 v0, v30;
	_ =	sdelay $0x1  }
0x4e: {  	v0 =	vsub.f32 $0.0e+00, v0;
	v31 =	vpop (erf)  }
0x4f: {  	v1 =	vadd.f32 $1.000000000e+00, v31  }
0x50: {  	v0 =	vmul.f32 $1.442695020e+00, v0  }
0x51: {  	v32 =	vld [tilespmem:$0x420];
	(erf) = vrcp.f32 v1  }
0x52: {  	v33 =	vld [tilespmem:$0x820];
	(erf) = vpow2.f32 v0;
	_ =	sdelay $0x1  }
0x53: {  	v34 =	vld [tilespmem:$0x620];
	_ =	sdelay $0x2  }
0x54: {  	v0 =	vsub.f32 v32, v33;
	_ =	sdelay $0x1  }
0x55: {  	v0 =	vmul.f32 v0, v34  }
0x56: {  	v35 =	vpop (erf)  }
0x57: {  	v0 =	vsub.f32 $0.0e+00, v0;
	v36 =	vpop (erf)  }
0x58: {  	v2 =	vadd.f32 $1.000000000e+00, v36  }
0x59: {  	v0 =	vmul.f32 $1.442695020e+00, v0  }
0x5a: {  	v37 =	vld [tilespmem:$0x430];
	(erf) = vrcp.f32 v2  }
0x5b: {  	v38 =	vld [tilespmem:$0x830];
	(erf) = vpow2.f32 v0;
	_ =	sdelay $0x1  }
0x5c: {  	v3 =	vld [tilespmem:$0x630];
	_ =	sdelay $0x2  }
0x5d: {  	v0 =	vsub.f32 v37, v38;
	_ =	sdelay $0x1  }
0x5e: {  	v0 =	vmul.f32 v0, v3  }
0x5f: {  	v39 =	vpop (erf)  }
0x60: {  	v0 =	vsub.f32 $0.0e+00, v0;
	v40 =	vpop (erf)  }
0x61: {  	v3 =	vadd.f32 $1.000000000e+00, v40  }
0x62: {  	v0 =	vmul.f32 $1.442695020e+00, v0  }
0x63: {  	v41 =	vld [tilespmem:$0x440];
	(erf) = vrcp.f32 v3  }
0x64: {  	v42 =	vld [tilespmem:$0x840];
	(erf) = vpow2.f32 v0;
	_ =	sdelay $0x1  }
0x65: {  	v4 =	vld [tilespmem:$0x640];
	_ =	sdelay $0x2  }
0x66: {  	v0 =	vsub.f32 v41, v42;
	_ =	sdelay $0x1  }
0x67: {  	v0 =	vmul.f32 v0, v4  }
0x68: {  	v43 =	vpop (erf)  }
0x69: {  	v0 =	vsub.f32 $0.0e+00, v0;
	v44 =	vpop (erf)  }
0x6a: {  	v4 =	vadd.f32 $1.000000000e+00, v44  }
0x6b: {  	v0 =	vmul.f32 $1.442695020e+00, v0  }
0x6c: {  	v45 =	vld [tilespmem:$0x450];
	(erf) = vrcp.f32 v4  }
0x6d: {  	v46 =	vld [tilespmem:$0x850];
	(erf) = vpow2.f32 v0;
	_ =	sdelay $0x1  }
0x6e: {  	v5 =	vld [tilespmem:$0x650];
	_ =	sdelay $0x2  }
0x6f: {  	v0 =	vsub.f32 v45, v46;
	_ =	sdelay $0x1  }
0x70: {  	v0 =	vmul.f32 v0, v5  }
0x71: {  	v47 =	vpop (erf)  }
0x72: {  	v0 =	vsub.f32 $0.0e+00, v0;
	v48 =	vpop (erf)  }
0x73: {  	v5 =	vadd.f32 $1.000000000e+00, v48  }
0x74: {  	v0 =	vmul.f32 $1.442695020e+00, v0  }
0x75: {  	v49 =	vld [tilespmem:$0x460];
	(erf) = vrcp.f32 v5  }
0x76: {  	v50 =	vld [tilespmem:$0x860];
	(erf) = vpow2.f32 v0;
	_ =	sdelay $0x1  }
0x77: {  	v6 =	vld [tilespmem:$0x660];
	_ =	sdelay $0x2  }
0x78: {  	v0 =	vsub.f32 v49, v50;
	_ =	sdelay $0x1  }
0x79: {  	v0 =	vmul.f32 v0, v6  }
0x7a: {  	v51 =	vpop (erf)  }
0x7b: {  	v0 =	vsub.f32 $0.0e+00, v0;
	v52 =	vpop (erf)  }
0x7c: {  	v6 =	vadd.f32 $1.000000000e+00, v52  }
0x7d: {  	v0 =	vmul.f32 $1.442695020e+00, v0  }
0x7e: {  	v53 =	vld [tilespmem:$0x470];
	(erf) = vrcp.f32 v6  }
0x7f: {  	v54 =	vld [tilespmem:$0x870];
	(erf) = vpow2.f32 v0;
	_ =	sdelay $0x1  }
0x80: {  	v7 =	vld [tilespmem:$0x670];
	_ =	sdelay $0x2  }
0x81: {  	v0 =	vsub.f32 v53, v54;
	_ =	sdelay $0x1  }
0x82: {  	v0 =	vmul.f32 v0, v7  }
0x83: {  	v55 =	vpop (erf)  }
0x84: {  	v0 =	vsub.f32 $0.0e+00, v0;
	v56 =	vpop (erf)  }
0x85: {  	v7 =	vadd.f32 $1.000000000e+00, v56  }
0x86: {  	v0 =	vmul.f32 $1.442695020e+00, v0  }
0x87: {  	(erf) = vrcp.f32 v7  }
0x88: {  	(erf) = vpow2.f32 v0;
	_ =	sdelay $0x7  }
0x89: {  	v57 =	vpop (erf)  }
0x8a: {  	v58 =	vpop (erf)  }
0x8b: {  	v7 =	vadd.f32 $1.000000000e+00, v58;
	_ =	sdelay $0x1  }
0x8c: {  	(erf) = vrcp.f32 v7;
	_ =	sdelay $0x2  }
0x8d: {  	[tilespmem:$0xA00] =	vst v35  }
0x8e: {  	[tilespmem:$0xA10] =	vst v39  }
0x8f: {  	[tilespmem:$0xA20] =	vst v43  }
0x90: {  	[tilespmem:$0xA30] =	vst v47  }
0x91: {  	[tilespmem:$0xA40] =	vst v51  }
0x92: {  	[tilespmem:$0xA50] =	vst v55  }
0x93: {  	[tilespmem:$0xA60] =	vst v57;
	v59 =	vpop (erf)  }
0x94: {  	[tilespmem:$0xA70] =	vst v59  }
0x95: {  	[hbm4b:s6+s5] =	stream.linear.scatter [tilespmem:s28], [sflag:$0x3], $0x80, $0x38;
	[tilespmem:$0xC00] =	vst v63  }
0x96: {  	_ =	swait.ge [sflag:s26], $0x80  }
0x97: {  	[sflag:s26] =	ssyncset.done $0x0  }
0x98: {  	[sflag:s26] =	ssyncadd.s32 $0xFFFFFF80  }
0x99: {  	_ =	swait.ge [sflag:s26], $0x80  }
0x9a: {  	[sflag:s26] =	ssyncset.done $0x0  }
0x9b: {  	[sflag:s26] =	ssyncadd.s32 $0xFFFFFF80  }
0x9c: {  	_ =	swait.ge [sflag:s26], $0x80  }
0x9d: {  	[sflag:s26] =	ssyncset.done $0x0  }
0x9e: {  	[sflag:s26] =	ssyncadd.s32 $0xFFFFFF80  }
0x9f: {  	v60 =	vld [tilespmem:$0x480]  }
0xa0: {  	v61 =	vld [tilespmem:$0x880];
	_ =	sdelay $0x1  }
0xa1: {  	v62 =	vld [tilespmem:$0x680];
	_ =	sdelay $0x2  }
0xa2: {  	v0 =	vsub.f32 v60, v61;
	_ =	sdelay $0x1  }
0xa3: {  	v0 =	vmul.f32 v0, v62;
	_ =	sdelay $0x1  }
0xa4: {  	v0 =	vsub.f32 $0.0e+00, v0;
	_ =	sdelay $0x1  }
0xa5: {  	v0 =	vmul.f32 $1.442695020e+00, v0  }
0xa6: {  	v63 =	vld [tilespmem:$0x490]  }
0xa7: {  	v4 =	vld [tilespmem:$0x890];
	(erf) = vpow2.f32 v0;
	_ =	sdelay $0x1  }
0xa8: {  	v5 =	vld [tilespmem:$0x690];
	_ =	sdelay $0x2  }
0xa9: {  	v0 =	vsub.f32 v63, v4;
	_ =	sdelay $0x1  }
0xaa: {  	v0 =	vmul.f32 v0, v5;
	_ =	sdelay $0x1  }
0xab: {  	v0 =	vsub.f32 $0.0e+00, v0;
	v6 =	vpop (erf)  }
0xac: {  	v1 =	vadd.f32 $1.000000000e+00, v6  }
0xad: {  	v0 =	vmul.f32 $1.442695020e+00, v0  }
0xae: {  	v7 =	vld [tilespmem:$0x4A0];
	(erf) = vrcp.f32 v1  }
0xaf: {  	v8 =	vld [tilespmem:$0x8A0];
	(erf) = vpow2.f32 v0;
	_ =	sdelay $0x1  }
0xb0: {  	v9 =	vld [tilespmem:$0x6A0];
	_ =	sdelay $0x2  }
0xb1: {  	v0 =	vsub.f32 v7, v8;
	_ =	sdelay $0x1  }
0xb2: {  	v0 =	vmul.f32 v0, v9  }
0xb3: {  	v10 =	vpop (erf)  }
0xb4: {  	v0 =	vsub.f32 $0.0e+00, v0;
	v11 =	vpop (erf)  }
0xb5: {  	v2 =	vadd.f32 $1.000000000e+00, v11  }
0xb6: {  	v0 =	vmul.f32 $1.442695020e+00, v0  }
0xb7: {  	v12 =	vld [tilespmem:$0x4B0];
	(erf) = vrcp.f32 v2  }
0xb8: {  	v13 =	vld [tilespmem:$0x8B0];
	(erf) = vpow2.f32 v0;
	_ =	sdelay $0x1  }
0xb9: {  	v14 =	vld [tilespmem:$0x6B0];
	_ =	sdelay $0x2  }
0xba: {  	v0 =	vsub.f32 v12, v13;
	_ =	sdelay $0x1  }
0xbb: {  	v0 =	vmul.f32 v0, v14  }
0xbc: {  	v15 =	vpop (erf)  }
0xbd: {  	v0 =	vsub.f32 $0.0e+00, v0;
	v16 =	vpop (erf)  }
0xbe: {  	v3 =	vadd.f32 $1.000000000e+00, v16  }
0xbf: {  	v0 =	vmul.f32 $1.442695020e+00, v0  }
0xc0: {  	v17 =	vld [tilespmem:$0x4C0];
	(erf) = vrcp.f32 v3  }
0xc1: {  	v18 =	vld [tilespmem:$0x8C0];
	(erf) = vpow2.f32 v0;
	_ =	sdelay $0x1  }
0xc2: {  	v19 =	vld [tilespmem:$0x6C0];
	_ =	sdelay $0x2  }
0xc3: {  	v0 =	vsub.f32 v17, v18;
	_ =	sdelay $0x1  }
0xc4: {  	v0 =	vmul.f32 v0, v19  }
0xc5: {  	v20 =	vpop (erf)  }
0xc6: {  	v0 =	vsub.f32 $0.0e+00, v0;
	v21 =	vpop (erf)  }
0xc7: {  	v4 =	vadd.f32 $1.000000000e+00, v21  }
0xc8: {  	v0 =	vmul.f32 $1.442695020e+00, v0  }
0xc9: {  	v22 =	vld [tilespmem:$0x4D0];
	(erf) = vrcp.f32 v4  }
0xca: {  	v23 =	vld [tilespmem:$0x8D0];
	(erf) = vpow2.f32 v0;
	_ =	sdelay $0x1  }
0xcb: {  	v24 =	vld [tilespmem:$0x6D0];
	_ =	sdelay $0x2  }
0xcc: {  	v0 =	vsub.f32 v22, v23;
	_ =	sdelay $0x1  }
0xcd: {  	v0 =	vmul.f32 v0, v24  }
0xce: {  	v25 =	vpop (erf)  }
0xcf: {  	v0 =	vsub.f32 $0.0e+00, v0;
	v26 =	vpop (erf)  }
0xd0: {  	v5 =	vadd.f32 $1.000000000e+00, v26  }
0xd1: {  	v0 =	vmul.f32 $1.442695020e+00, v0  }
0xd2: {  	v27 =	vld [tilespmem:$0x4E0];
	(erf) = vrcp.f32 v5  }
0xd3: {  	v28 =	vld [tilespmem:$0x8E0];
	(erf) = vpow2.f32 v0;
	_ =	sdelay $0x1  }
0xd4: {  	v29 =	vld [tilespmem:$0x6E0];
	_ =	sdelay $0x2  }
0xd5: {  	v0 =	vsub.f32 v27, v28;
	_ =	sdelay $0x1  }
0xd6: {  	v0 =	vmul.f32 v0, v29  }
0xd7: {  	v30 =	vpop (erf)  }
0xd8: {  	v0 =	vsub.f32 $0.0e+00, v0;
	v31 =	vpop (erf)  }
0xd9: {  	v6 =	vadd.f32 $1.000000000e+00, v31  }
0xda: {  	v0 =	vmul.f32 $1.442695020e+00, v0  }
0xdb: {  	v32 =	vld [tilespmem:$0x4F0];
	(erf) = vrcp.f32 v6  }
0xdc: {  	v33 =	vld [tilespmem:$0x8F0];
	(erf) = vpow2.f32 v0;
	_ =	sdelay $0x1  }
0xdd: {  	v34 =	vld [tilespmem:$0x6F0];
	_ =	sdelay $0x2  }
0xde: {  	v0 =	vsub.f32 v32, v33;
	_ =	sdelay $0x1  }
0xdf: {  	v0 =	vmul.f32 v0, v34  }
0xe0: {  	v35 =	vpop (erf)  }
0xe1: {  	v0 =	vsub.f32 $0.0e+00, v0;
	v36 =	vpop (erf)  }
0xe2: {  	v7 =	vadd.f32 $1.000000000e+00, v36  }
0xe3: {  	v0 =	vmul.f32 $1.442695020e+00, v0  }
0xe4: {  	(erf) = vrcp.f32 v7  }
0xe5: {  	(erf) = vpow2.f32 v0;
	_ =	sdelay $0x7  }
0xe6: {  	v37 =	vpop (erf)  }
0xe7: {  	v38 =	vpop (erf)  }
0xe8: {  	v7 =	vadd.f32 $1.000000000e+00, v38;
	_ =	sdelay $0x1  }
0xe9: {  	(erf) = vrcp.f32 v7;
	_ =	sdelay $0x2  }
0xea: {  	[tilespmem:$0xA80] =	vst v10  }
0xeb: {  	[tilespmem:$0xA90] =	vst v15  }
0xec: {  	[tilespmem:$0xAA0] =	vst v20  }
0xed: {  	[tilespmem:$0xAB0] =	vst v25  }
0xee: {  	[tilespmem:$0xAC0] =	vst v30  }
0xef: {  	[tilespmem:$0xAD0] =	vst v35  }
0xf0: {  	[tilespmem:$0xAE0] =	vst v37;
	v39 =	vpop (erf)  }
0xf1: {  	s11 =	rddreg [dreg:$0x9];
	[tilespmem:$0xAF0] =	vst v39  }
0xf2: {  	[hbm4b:s11+s5] =	stream.linear.scatter [tilespmem:s29], [sflag:$0x3], $0x80, $0x38;
	[tilespmem:$0xC00] =	vst v63  }
0xf3: {  	_ =	swait.ge [sflag:s26], $0x80  }
0xf4: {  	[sflag:s26] =	ssyncset.done $0x0  }
0xf5: {  	[sflag:s26] =	ssyncadd.s32 $0xFFFFFF80  }
0xf6: {  	_ =	swait.ge [sflag:s26], $0x80  }
0xf7: {  	[sflag:s26] =	ssyncset.done $0x0  }
0xf8: {  	[sflag:s26] =	ssyncadd.s32 $0xFFFFFF80  }
0xf9: {  	_ =	swait.ge [sflag:s26], $0x80  }
0xfa: {  	[sflag:s26] =	ssyncset.done $0x0  }
0xfb: {  	[sflag:s26] =	ssyncadd.s32 $0xFFFFFF80  }
0xfc: {  	v40 =	vld [tilespmem:$0x500]  }
0xfd: {  	v41 =	vld [tilespmem:$0x900];
	_ =	sdelay $0x1  }
0xfe: {  	v42 =	vld [tilespmem:$0x700];
	_ =	sdelay $0x2  }
0xff: {  	v0 =	vsub.f32 v40, v41;
	_ =	sdelay $0x1  }
0x100: {  	v0 =	vmul.f32 v0, v42;
	_ =	sdelay $0x1  }
0x101: {  	v0 =	vsub.f32 $0.0e+00, v0;
	_ =	sdelay $0x1  }
0x102: {  	v0 =	vmul.f32 $1.442695020e+00, v0  }
0x103: {  	v43 =	vld [tilespmem:$0x510]  }
0x104: {  	v44 =	vld [tilespmem:$0x910];
	(erf) = vpow2.f32 v0;
	_ =	sdelay $0x1  }
0x105: {  	v45 =	vld [tilespmem:$0x710];
	_ =	sdelay $0x2  }
0x106: {  	v0 =	vsub.f32 v43, v44;
	_ =	sdelay $0x1  }
0x107: {  	v0 =	vmul.f32 v0, v45;
	_ =	sdelay $0x1  }
0x108: {  	v0 =	vsub.f32 $0.0e+00, v0;
	v46 =	vpop (erf)  }
0x109: {  	v1 =	vadd.f32 $1.000000000e+00, v46  }
0x10a: {  	v0 =	vmul.f32 $1.442695020e+00, v0  }
0x10b: {  	v47 =	vld [tilespmem:$0x520];
	(erf) = vrcp.f32 v1  }
0x10c: {  	v48 =	vld [tilespmem:$0x920];
	(erf) = vpow2.f32 v0;
	_ =	sdelay $0x1  }
0x10d: {  	v49 =	vld [tilespmem:$0x720];
	_ =	sdelay $0x2  }
0x10e: {  	v0 =	vsub.f32 v47, v48;
	_ =	sdelay $0x1  }
0x10f: {  	v0 =	vmul.f32 v0, v49  }
0x110: {  	v50 =	vpop (erf)  }
0x111: {  	v0 =	vsub.f32 $0.0e+00, v0;
	v51 =	vpop (erf)  }
0x112: {  	v2 =	vadd.f32 $1.000000000e+00, v51  }
0x113: {  	v0 =	vmul.f32 $1.442695020e+00, v0  }
0x114: {  	v52 =	vld [tilespmem:$0x530];
	(erf) = vrcp.f32 v2  }
0x115: {  	v53 =	vld [tilespmem:$0x930];
	(erf) = vpow2.f32 v0;
	_ =	sdelay $0x1  }
0x116: {  	v54 =	vld [tilespmem:$0x730];
	_ =	sdelay $0x2  }
0x117: {  	v0 =	vsub.f32 v52, v53;
	_ =	sdelay $0x1  }
0x118: {  	v0 =	vmul.f32 v0, v54  }
0x119: {  	v55 =	vpop (erf)  }
0x11a: {  	v0 =	vsub.f32 $0.0e+00, v0;
	v56 =	vpop (erf)  }
0x11b: {  	v3 =	vadd.f32 $1.000000000e+00, v56  }
0x11c: {  	v0 =	vmul.f32 $1.442695020e+00, v0  }
0x11d: {  	v57 =	vld [tilespmem:$0x540];
	(erf) = vrcp.f32 v3  }
0x11e: {  	v58 =	vld [tilespmem:$0x940];
	(erf) = vpow2.f32 v0;
	_ =	sdelay $0x1  }
0x11f: {  	v59 =	vld [tilespmem:$0x740];
	_ =	sdelay $0x2  }
0x120: {  	v0 =	vsub.f32 v57, v58;
	_ =	sdelay $0x1  }
0x121: {  	v0 =	vmul.f32 v0, v59  }
0x122: {  	v60 =	vpop (erf)  }
0x123: {  	v0 =	vsub.f32 $0.0e+00, v0;
	v61 =	vpop (erf)  }
0x124: {  	v4 =	vadd.f32 $1.000000000e+00, v61  }
0x125: {  	v0 =	vmul.f32 $1.442695020e+00, v0  }
0x126: {  	v62 =	vld [tilespmem:$0x550];
	(erf) = vrcp.f32 v4  }
0x127: {  	v63 =	vld [tilespmem:$0x950];
	(erf) = vpow2.f32 v0;
	_ =	sdelay $0x1  }
0x128: {  	v8 =	vld [tilespmem:$0x750];
	_ =	sdelay $0x2  }
0x129: {  	v0 =	vsub.f32 v62, v63;
	_ =	sdelay $0x1  }
0x12a: {  	v0 =	vmul.f32 v0, v8  }
0x12b: {  	v9 =	vpop (erf)  }
0x12c: {  	v0 =	vsub.f32 $0.0e+00, v0;
	v10 =	vpop (erf)  }
0x12d: {  	v5 =	vadd.f32 $1.000000000e+00, v10  }
0x12e: {  	v0 =	vmul.f32 $1.442695020e+00, v0  }
0x12f: {  	v11 =	vld [tilespmem:$0x560];
	(erf) = vrcp.f32 v5  }
0x130: {  	v12 =	vld [tilespmem:$0x960];
	(erf) = vpow2.f32 v0;
	_ =	sdelay $0x1  }
0x131: {  	v13 =	vld [tilespmem:$0x760];
	_ =	sdelay $0x2  }
0x132: {  	v0 =	vsub.f32 v11, v12;
	_ =	sdelay $0x1  }
0x133: {  	v0 =	vmul.f32 v0, v13  }
0x134: {  	v14 =	vpop (erf)  }
0x135: {  	v0 =	vsub.f32 $0.0e+00, v0;
	v15 =	vpop (erf)  }
0x136: {  	v6 =	vadd.f32 $1.000000000e+00, v15  }
0x137: {  	v0 =	vmul.f32 $1.442695020e+00, v0  }
0x138: {  	v16 =	vld [tilespmem:$0x570];
	(erf) = vrcp.f32 v6  }
0x139: {  	v17 =	vld [tilespmem:$0x970];
	(erf) = vpow2.f32 v0;
	_ =	sdelay $0x1  }
0x13a: {  	v18 =	vld [tilespmem:$0x770];
	_ =	sdelay $0x2  }
0x13b: {  	v0 =	vsub.f32 v16, v17;
	_ =	sdelay $0x1  }
0x13c: {  	v0 =	vmul.f32 v0, v18  }
0x13d: {  	v19 =	vpop (erf)  }
0x13e: {  	v0 =	vsub.f32 $0.0e+00, v0;
	v20 =	vpop (erf)  }
0x13f: {  	v7 =	vadd.f32 $1.000000000e+00, v20  }
0x140: {  	v0 =	vmul.f32 $1.442695020e+00, v0  }
0x141: {  	(erf) = vrcp.f32 v7  }
0x142: {  	(erf) = vpow2.f32 v0;
	_ =	sdelay $0x7  }
0x143: {  	v21 =	vpop (erf)  }
0x144: {  	v22 =	vpop (erf)  }
0x145: {  	v7 =	vadd.f32 $1.000000000e+00, v22;
	_ =	sdelay $0x1  }
0x146: {  	(erf) = vrcp.f32 v7;
	_ =	sdelay $0x2  }
0x147: {  	[tilespmem:$0xB00] =	vst v50  }
0x148: {  	[tilespmem:$0xB10] =	vst v55  }
0x149: {  	[tilespmem:$0xB20] =	vst v60  }
0x14a: {  	[tilespmem:$0xB30] =	vst v9  }
0x14b: {  	[tilespmem:$0xB40] =	vst v14  }
0x14c: {  	[tilespmem:$0xB50] =	vst v19  }
0x14d: {  	[tilespmem:$0xB60] =	vst v21;
	v23 =	vpop (erf)  }
0x14e: {  	s11 =	rddreg [dreg:$0xa];
	[tilespmem:$0xB70] =	vst v23  }
0x14f: {  	[hbm4b:s11+s5] =	stream.linear.scatter [tilespmem:s30], [sflag:$0x3], $0x80, $0x38;
	[tilespmem:$0xC00] =	vst v63  }
0x150: {  	_ =	swait.ge [sflag:s26], $0x80  }
0x151: {  	[sflag:s26] =	ssyncset.done $0x0  }
0x152: {  	[sflag:s26] =	ssyncadd.s32 $0xFFFFFF80  }
0x153: {  	_ =	swait.ge [sflag:s26], $0x80  }
0x154: {  	[sflag:s26] =	ssyncset.done $0x0  }
0x155: {  	[sflag:s26] =	ssyncadd.s32 $0xFFFFFF80  }
0x156: {  	_ =	swait.ge [sflag:s26], $0x80  }
0x157: {  	[sflag:s26] =	ssyncset.done $0x0  }
0x158: {  	[sflag:s26] =	ssyncadd.s32 $0xFFFFFF80  }
0x159: {  	v24 =	vld [tilespmem:$0x580]  }
0x15a: {  	v25 =	vld [tilespmem:$0x980];
	_ =	sdelay $0x1  }
0x15b: {  	v26 =	vld [tilespmem:$0x780];
	_ =	sdelay $0x2  }
0x15c: {  	v0 =	vsub.f32 v24, v25;
	_ =	sdelay $0x1  }
0x15d: {  	v0 =	vmul.f32 v0, v26;
	_ =	sdelay $0x1  }
0x15e: {  	v0 =	vsub.f32 $0.0e+00, v0;
	_ =	sdelay $0x1  }
0x15f: {  	v0 =	vmul.f32 $1.442695020e+00, v0  }
0x160: {  	v27 =	vld [tilespmem:$0x590]  }
0x161: {  	v28 =	vld [tilespmem:$0x990];
	(erf) = vpow2.f32 v0;
	_ =	sdelay $0x1  }
0x162: {  	v29 =	vld [tilespmem:$0x790];
	_ =	sdelay $0x2  }
0x163: {  	v0 =	vsub.f32 v27, v28;
	_ =	sdelay $0x1  }
0x164: {  	v0 =	vmul.f32 v0, v29;
	_ =	sdelay $0x1  }
0x165: {  	v0 =	vsub.f32 $0.0e+00, v0;
	v30 =	vpop (erf)  }
0x166: {  	v1 =	vadd.f32 $1.000000000e+00, v30  }
0x167: {  	v0 =	vmul.f32 $1.442695020e+00, v0  }
0x168: {  	v31 =	vld [tilespmem:$0x5A0];
	(erf) = vrcp.f32 v1  }
0x169: {  	v32 =	vld [tilespmem:$0x9A0];
	(erf) = vpow2.f32 v0;
	_ =	sdelay $0x1  }
0x16a: {  	v33 =	vld [tilespmem:$0x7A0];
	_ =	sdelay $0x2  }
0x16b: {  	v0 =	vsub.f32 v31, v32;
	_ =	sdelay $0x1  }
0x16c: {  	v0 =	vmul.f32 v0, v33  }
0x16d: {  	v34 =	vpop (erf)  }
0x16e: {  	v0 =	vsub.f32 $0.0e+00, v0;
	v35 =	vpop (erf)  }
0x16f: {  	v2 =	vadd.f32 $1.000000000e+00, v35  }
0x170: {  	v0 =	vmul.f32 $1.442695020e+00, v0  }
0x171: {  	v36 =	vld [tilespmem:$0x5B0];
	(erf) = vrcp.f32 v2  }
0x172: {  	v37 =	vld [tilespmem:$0x9B0];
	(erf) = vpow2.f32 v0;
	_ =	sdelay $0x1  }
0x173: {  	v38 =	vld [tilespmem:$0x7B0];
	_ =	sdelay $0x2  }
0x174: {  	v0 =	vsub.f32 v36, v37;
	_ =	sdelay $0x1  }
0x175: {  	v0 =	vmul.f32 v0, v38  }
0x176: {  	v39 =	vpop (erf)  }
0x177: {  	v0 =	vsub.f32 $0.0e+00, v0;
	v40 =	vpop (erf)  }
0x178: {  	v3 =	vadd.f32 $1.000000000e+00, v40  }
0x179: {  	v0 =	vmul.f32 $1.442695020e+00, v0  }
0x17a: {  	v41 =	vld [tilespmem:$0x5C0];
	(erf) = vrcp.f32 v3  }
0x17b: {  	v42 =	vld [tilespmem:$0x9C0];
	(erf) = vpow2.f32 v0;
	_ =	sdelay $0x1  }
0x17c: {  	v43 =	vld [tilespmem:$0x7C0];
	_ =	sdelay $0x2  }
0x17d: {  	v0 =	vsub.f32 v41, v42;
	_ =	sdelay $0x1  }
0x17e: {  	v0 =	vmul.f32 v0, v43  }
0x17f: {  	v44 =	vpop (erf)  }
0x180: {  	v0 =	vsub.f32 $0.0e+00, v0;
	v45 =	vpop (erf)  }
0x181: {  	v4 =	vadd.f32 $1.000000000e+00, v45  }
0x182: {  	v0 =	vmul.f32 $1.442695020e+00, v0  }
0x183: {  	v46 =	vld [tilespmem:$0x5D0];
	(erf) = vrcp.f32 v4  }
0x184: {  	v47 =	vld [tilespmem:$0x9D0];
	(erf) = vpow2.f32 v0;
	_ =	sdelay $0x1  }
0x185: {  	v48 =	vld [tilespmem:$0x7D0];
	_ =	sdelay $0x2  }
0x186: {  	v0 =	vsub.f32 v46, v47;
	_ =	sdelay $0x1  }
0x187: {  	v0 =	vmul.f32 v0, v48  }
0x188: {  	v49 =	vpop (erf)  }
0x189: {  	v0 =	vsub.f32 $0.0e+00, v0;
	v50 =	vpop (erf)  }
0x18a: {  	v5 =	vadd.f32 $1.000000000e+00, v50  }
0x18b: {  	v0 =	vmul.f32 $1.442695020e+00, v0  }
0x18c: {  	v51 =	vld [tilespmem:$0x5E0];
	(erf) = vrcp.f32 v5  }
0x18d: {  	v52 =	vld [tilespmem:$0x9E0];
	(erf) = vpow2.f32 v0;
	_ =	sdelay $0x1  }
0x18e: {  	v53 =	vld [tilespmem:$0x7E0];
	_ =	sdelay $0x2  }
0x18f: {  	v0 =	vsub.f32 v51, v52;
	_ =	sdelay $0x1  }
0x190: {  	v0 =	vmul.f32 v0, v53  }
0x191: {  	v54 =	vpop (erf)  }
0x192: {  	v0 =	vsub.f32 $0.0e+00, v0;
	v55 =	vpop (erf)  }
0x193: {  	v6 =	vadd.f32 $1.000000000e+00, v55  }
0x194: {  	v0 =	vmul.f32 $1.442695020e+00, v0  }
0x195: {  	v56 =	vld [tilespmem:$0x5F0];
	(erf) = vrcp.f32 v6  }
0x196: {  	v57 =	vld [tilespmem:$0x9F0];
	(erf) = vpow2.f32 v0;
	_ =	sdelay $0x1  }
0x197: {  	v58 =	vld [tilespmem:$0x7F0];
	_ =	sdelay $0x2  }
0x198: {  	v0 =	vsub.f32 v56, v57;
	_ =	sdelay $0x1  }
0x199: {  	v0 =	vmul.f32 v0, v58  }
0x19a: {  	v59 =	vpop (erf)  }
0x19b: {  	v0 =	vsub.f32 $0.0e+00, v0;
	v60 =	vpop (erf)  }
0x19c: {  	v7 =	vadd.f32 $1.000000000e+00, v60  }
0x19d: {  	v0 =	vmul.f32 $1.442695020e+00, v0  }
0x19e: {  	(erf) = vrcp.f32 v7  }
0x19f: {  	(erf) = vpow2.f32 v0;
	_ =	sdelay $0x7  }
0x1a0: {  	v61 =	vpop (erf)  }
0x1a1: {  	v62 =	vpop (erf)  }
0x1a2: {  	v7 =	vadd.f32 $1.000000000e+00, v62;
	_ =	sdelay $0x1  }
0x1a3: {  	(erf) = vrcp.f32 v7;
	_ =	sdelay $0x2  }
0x1a4: {  	[tilespmem:$0xB80] =	vst v34  }
0x1a5: {  	[tilespmem:$0xB90] =	vst v39  }
0x1a6: {  	[tilespmem:$0xBA0] =	vst v44  }
0x1a7: {  	[tilespmem:$0xBB0] =	vst v49  }
0x1a8: {  	[tilespmem:$0xBC0] =	vst v54  }
0x1a9: {  	[tilespmem:$0xBD0] =	vst v59  }
0x1aa: {  	[tilespmem:$0xBE0] =	vst v61;
	v63 =	vpop (erf)  }
0x1ab: {  	s11 =	rddreg [dreg:$0xb];
	[tilespmem:$0xBF0] =	vst v63  }
0x1ac: {  	[hbm4b:s11+s5] =	stream.linear.scatter [tilespmem:s31], [sflag:$0x3], $0x80, $0x38;
	[tilespmem:$0xC00] =	vst v63  }
0x1ad: {  	_ =	swait.ge [sflag:s0], $0x80  }
0x1ae: {  	[sflag:s0] =	ssyncset.done $0x0  }
0x1af: {  	[sflag:s0] =	ssyncadd.s32 $0xFFFFFF80  }
0x1b0: {  	_ =	swait.ge [sflag:s0], $0x80  }
0x1b1: {  	[sflag:s0] =	ssyncset.done $0x0  }
0x1b2: {  	[sflag:s0] =	ssyncadd.s32 $0xFFFFFF80  }
0x1b3: {  	p0 =	sne.s32 s7, $0x1;
	_ =	swait.ge [sflag:s0], $0x80  }
.Ltmp0:
0x1b4: {  	[sflag:s0] =	ssyncset.done $0x0;
	(pc) =	sbr.rel @p0 .LBB2_1-.Ltmp0, $4  }
0x1b5: {  	[sflag:s0] =	ssyncadd.s32 $0xFFFFFF80  }
0x1b6: {  	_ =	swait.ge [sflag:s0], $0x80  }
0x1b7: {  	[sflag:s0] =	ssyncset.done $0x0  }
0x1b8: {  	s7 =	sadd.s32 $0xFFFFFFFF, s7;
	[sflag:s0] =	ssyncadd.s32 $0xFFFFFF80  }
0x1b9: {  	_ =	sfence.sel $0x180000  }
0x1ba: {  	[bflag:$0x0] =	sbarrier.arrive $0xFFFF  }
0x1bb: {  	_ =	strace $0x90000047  }
0x1bc: {  	s0 =	stileid.u32;
	[bflag:$0x2] =	sbarrier.arrive $0xFFFF  }
0x1bd: {  	p0 =	sne.s32 s0, $0x0;
	s0 =	rddreg [dreg:$0x6]  }
0x1be: {  	s0 =	sadd.s32 @!p0 $0x100000, s0  }
0x1bf: {  	[sflag:s0] =	ssyncadd.tile.s32 @!p0 $0x1;
	_ =	shalt  }
.Lfunc_end2:
_tile_overlayer_lowered:
.L_overlay_start_2:
0x1c0: {  	(tag) =	ssettag $0x2  }
0x1c1: {  	s0 =	rddreg [dreg:$0x0];
	s2 =	stileid.u32  }
0x1c2: {  	s1 =	rddreg [dreg:$0x1];
	p0 =	sne.s32 s2, $0x0  }
0x1c3: {  	s3 =	rddreg [dreg:$0x2];
	[bflag:$0x3] =	sbarrier.arrive $0xFFFF;
	s2 =	simm.s32 @!p0 $0x1C04  }
0x1c4: {  	[timem:s3], [sflag:s2] =	dma.local @!p0 [hbm:s0], s1  }
0x1c5: {  	s0 =	simm.s32 @!p0 $0x4  }
0x1c6: {  	_ =	swait.ge @!p0 [sflag:s0], s1  }
0x1c7: {  	s1 =	ssub.s32 @!p0 $0x0, s1;
	[sflag:s0] =	ssyncset.done @!p0 $0x0  }
0x1c8: {  	[sflag:s0] =	ssyncadd.s32 @!p0 s1  }
0x1c9: {  	[bflag:$0x3] =	sbarrier.arrive $0xFFFF  }
0x1ca: {  	_ =	shalt  }

</sc_bundles>
